<compile_context>
chip_gen: v7x
topology: tpu7x:2x2x1
jax: 0.10.2.dev20260603
libtpu: 0.0.44.dev20260713+nightly
codegen_flags: <defaults>
</compile_context>

<pallas_src>
import jax
import jax.numpy as jnp
from jax import lax
from jax.experimental import pallas as pl
from jax.experimental.layout import Layout, with_layout_constraint
from jax.experimental.pallas import tpu as pltpu
from jax.experimental.pallas import tpu_sc as plsc

B = 16384
F = 26
VOCAB = 1000000
NC, NS = 2, 16
NW = NC * NS
BW = B // NW
RT = BW // 128


def _sc_body(xt_hbm, tab_hbm, out_hbm, idx_v, vals_v, acc_v, gsem):
    wid = lax.axis_index("s") * NC + lax.axis_index("c")
    pltpu.sync_copy(xt_hbm.at[wid], idx_v)

    def per_field(f, _):
        row = tab_hbm.at[f]
        for r in range(RT):
            pltpu.make_async_copy(
                row.at[idx_v.at[f, r]], vals_v.at[r], gsem,
            ).start()
        for r in range(RT):
            pltpu.make_async_copy(
                row.at[idx_v.at[f, r]], vals_v.at[r], gsem,
            ).wait()

        @pl.when(f == 0)
        def _():
            for r in range(RT):
                for k in range(8):
                    sl = pl.ds(r * 128 + k * 16, 16)
                    acc_v[sl] = vals_v[r, pl.ds(k * 16, 16)]

        @pl.when(f > 0)
        def _():
            for r in range(RT):
                for k in range(8):
                    sl = pl.ds(r * 128 + k * 16, 16)
                    acc_v[sl] = acc_v[sl] + vals_v[r, pl.ds(k * 16, 16)]

        return 0

    lax.fori_loop(0, F, per_field, 0)

    def sig(k, _):
        sl = pl.ds(k * 16, 16)
        acc_v[sl] = 1.0 / (1.0 + jnp.exp(-acc_v[sl]))
        return 0

    lax.fori_loop(0, BW // 16, sig, 0)
    pltpu.sync_copy(acc_v, out_hbm.at[pl.ds(wid * BW, BW)])


@jax.jit
def kernel(X, linear_tables):
    xt = X.reshape(NW, BW, F).transpose(0, 2, 1).reshape(NW, F, RT, 128)
    tab = jnp.squeeze(linear_tables, -1)
    tab = with_layout_constraint(
        tab, Layout(major_to_minor=(0, 1), tiling=((8, 128),)))
    tab = jax.lax.optimization_barrier(tab)
    mesh = plsc.VectorSubcoreMesh(
        core_axis_name="c", subcore_axis_name="s",
        num_cores=NC, num_subcores=NS)
    out = pl.kernel(
        _sc_body,
        out_type=jax.ShapeDtypeStruct((B,), jnp.float32),
        mesh=mesh,
        compiler_params=pltpu.CompilerParams(use_tc_tiling_on_sc=False),
        scratch_types=[
            pltpu.VMEM((F, RT, 128), jnp.int32),
            pltpu.VMEM((RT, 128), jnp.float32),
            pltpu.VMEM((BW,), jnp.float32),
            pltpu.SemaphoreType.DMA,
        ],
    )(xt, tab)
    return out.reshape(B, 1)

# --- scband reference (transcript-rebuilt; emitter-appended) ---
"""Pipeline reference for scband-base-model-64132451664376 (READ-ONLY COPY).

The authoritative reference and input builder live on the scoring server;
editing this copy changes nothing except your own understanding.
"""

import jax, jax.numpy as jnp
import numpy as np

B = 16384
F = 26
VOCAB = 1000000


def setup_inputs(seed: int = 0) -> dict:
    key = jax.random.key(seed)
    k1, k2 = jax.random.split(key)
    # X: concatenated sparse feature indices, one column per sparse field
    X = jax.random.randint(k1, (B, F), 0, VOCAB, dtype=jnp.int64 if jax.config.jax_enable_x64 else jnp.int32)
    X = X.astype(jnp.int32)
    # Linear-branch embedding tables: one table per field, embedding_dim=1
    # (nn.init.normal_(weight, mean=0, std=init_std) with init_std=1e-4)
    linear_tables = jax.random.normal(k2, (F, VOCAB, 1), dtype=jnp.float32) * 1e-4
    return {"X": X, "linear_tables": linear_tables}


def reference(X, linear_tables):
    # Linear.forward: per-field embedding lookup -> [B, 1, 1] each
    # gather: linear_tables[f][X[:, f]] for each field f, vectorized
    field_idx = jnp.arange(F)[None, :]            # [1, F]
    emb = linear_tables[field_idx, X]             # [B, F, 1]
    # torch.cat(sparse_embedding_list, dim=-1) -> [B, 1, F]
    sparse_embedding_cat = jnp.transpose(emb, (0, 2, 1))  # [B, 1, F]
    # torch.sum(..., dim=-1) -> [B, 1]
    sparse_feat_logit = jnp.sum(sparse_embedding_cat, axis=-1)  # [B, 1]
    linear_logit = jnp.zeros((X.shape[0], 1), dtype=jnp.float32) + sparse_feat_logit
    # BaseModel: out = PredictionLayer('binary') -> sigmoid
    y_pred = jax.nn.sigmoid(linear_logit)
    return y_pred

if __name__ == "__main__":
    import jax
    _d = setup_inputs()
    print(jax.jit(kernel)(*tuple(_d.values())))

</pallas_src>

<mosaic_0001>
#map = affine_map<(d0, d1) -> (0, 0, 0, 0)>
#map1 = affine_map<(d0, d1) -> (0, 0)>
#map2 = affine_map<(d0, d1) -> (0)>
module attributes {stable_mosaic.version = 14 : i64} {
  func.func @_sc_body(%arg0: i32, %arg1: i32, %arg2: memref<32x26x4x128xi32, #tpu.memory_space<hbm>>, %arg3: memref<26x1000000xf32, #tpu.memory_space<hbm>>, %arg4: memref<16384xf32, #tpu.memory_space<hbm>>, %arg5: memref<26x4x128xi32, #tpu.memory_space<vmem>>, %arg6: memref<4x128xf32, #tpu.memory_space<vmem>>, %arg7: memref<512xf32, #tpu.memory_space<vmem>>, %arg8: memref<!tpu.dma_semaphore, #tpu.memory_space<semaphore_mem>>) attributes {dimension_semantics = [#tpu.dimension_semantics<core_parallel>, #tpu.dimension_semantics<subcore_parallel>], iteration_bounds = array<i64: 2, 16>, scalar_prefetch = 0 : i64, scratch_operands = 4 : i64, tpu.core_type = #tpu.core_type<sc_vector_subcore>, window_params = [{transform_indices = #map}, {transform_indices = #map1}, {transform_indices = #map2}]} {
    %mul3A = arith.constant 2 : i32
    %mul3A_0 = arith.muli %arg1, %mul3A : i32
    %add3A = arith.addi %mul3A_0, %arg0 : i32
    "tpu.region"() ({
      %run_scoped3A = tpu.sem_alloc : memref<!tpu.dma_semaphore, #tpu.memory_space<semaphore_mem>>
      %dma_start3A = arith.constant 0 : i32
      %dma_start3A_16 = arith.constant 0 : i32
      %dma_start3A_17 = arith.constant 0 : i32
      %dma_start3A_18 = tpu.memref_slice %arg2[%add3A, %dma_start3A, %dma_start3A_16, %dma_start3A_17] : memref<32x26x4x128xi32, #tpu.memory_space<hbm>> -> memref<1x26x4x128xi32, #tpu.memory_space<hbm>>
      %dma_start3A_19 = tpu.memref_squeeze %dma_start3A_18 : memref<1x26x4x128xi32, #tpu.memory_space<hbm>> -> memref<26x4x128xi32, #tpu.memory_space<hbm>>
      %dma_start3A_20 = arith.constant 0 : i32
      %dma_start3A_21 = arith.constant 0 : i32
      %dma_start3A_22 = arith.constant 0 : i32
      %dma_start3A_23 = tpu.memref_slice %arg2[%add3A, %dma_start3A_20, %dma_start3A_21, %dma_start3A_22] : memref<32x26x4x128xi32, #tpu.memory_space<hbm>> -> memref<1x26x4x128xi32, #tpu.memory_space<hbm>>
      %dma_start3A_24 = tpu.memref_squeeze %dma_start3A_23 : memref<1x26x4x128xi32, #tpu.memory_space<hbm>> -> memref<26x4x128xi32, #tpu.memory_space<hbm>>
      tpu.enqueue_dma source(%dma_start3A_24 : memref<26x4x128xi32, #tpu.memory_space<hbm>>) target(%arg5 : memref<26x4x128xi32, #tpu.memory_space<vmem>>) target_semaphore(%run_scoped3A : memref<!tpu.dma_semaphore, #tpu.memory_space<semaphore_mem>>)
      %dma_wait3A = arith.constant 0 : i32
      %dma_wait3A_25 = arith.constant 0 : i32
      %dma_wait3A_26 = arith.constant 0 : i32
      %dma_wait3A_27 = tpu.memref_slice %arg2[%add3A, %dma_wait3A, %dma_wait3A_25, %dma_wait3A_26] : memref<32x26x4x128xi32, #tpu.memory_space<hbm>> -> memref<1x26x4x128xi32, #tpu.memory_space<hbm>>
      %dma_wait3A_28 = tpu.memref_squeeze %dma_wait3A_27 : memref<1x26x4x128xi32, #tpu.memory_space<hbm>> -> memref<26x4x128xi32, #tpu.memory_space<hbm>>
      %dma_wait3A_29 = arith.constant 0 : i32
      %dma_wait3A_30 = arith.constant 0 : i32
      %dma_wait3A_31 = arith.constant 0 : i32
      %dma_wait3A_32 = tpu.memref_slice %arg2[%add3A, %dma_wait3A_29, %dma_wait3A_30, %dma_wait3A_31] : memref<32x26x4x128xi32, #tpu.memory_space<hbm>> -> memref<1x26x4x128xi32, #tpu.memory_space<hbm>>
      %dma_wait3A_33 = tpu.memref_squeeze %dma_wait3A_32 : memref<1x26x4x128xi32, #tpu.memory_space<hbm>> -> memref<26x4x128xi32, #tpu.memory_space<hbm>>
      tpu.wait_dma2 semaphore(%run_scoped3A : memref<!tpu.dma_semaphore, #tpu.memory_space<semaphore_mem>>) src(%dma_wait3A_33 : memref<26x4x128xi32, #tpu.memory_space<hbm>>) dst(%arg5 : memref<26x4x128xi32, #tpu.memory_space<vmem>>)
      tpu.yield
    }) : () -> ()
    %scan3A = arith.constant 0 : i32
    %scan3A_1 = arith.constant 0 : i32
    %scan3A_2 = arith.constant 26 : i32
    %scan3A_3 = arith.addi %scan3A_1, %scan3A_2 : i32
    %scan3A_4 = arith.constant 1 : i32
    %scan3A_5 = scf.for %scan3A_16 = %scan3A_1 to %scan3A_3 step %scan3A_4 iter_args(%scan3A_17 = %scan3A) -> (i32)  : i32 {
      %dma_start3A = arith.constant 0 : i32
      %dma_start3A_18 = arith.constant 0 : i32
      %dma_start3A_19 = arith.constant 0 : i32
      %dma_start3A_20 = tpu.memref_slice %arg6[%dma_start3A_18, %dma_start3A_19] : memref<4x128xf32, #tpu.memory_space<vmem>> -> memref<1x128xf32, #tpu.memory_space<vmem>>
      %dma_start3A_21 = tpu.memref_squeeze %dma_start3A_20 : memref<1x128xf32, #tpu.memory_space<vmem>> -> memref<128xf32, #tpu.memory_space<vmem>>
      %dma_start3A_22 = arith.constant 0 : i32
      %dma_start3A_23 = tpu.memref_slice %arg5[%scan3A_16, %dma_start3A, %dma_start3A_22] : memref<26x4x128xi32, #tpu.memory_space<vmem>> -> memref<1x1x128xi32, #tpu.memory_space<vmem>>
      %dma_start3A_24 = tpu.memref_squeeze %dma_start3A_23 : memref<1x1x128xi32, #tpu.memory_space<vmem>> -> memref<128xi32, #tpu.memory_space<vmem>>
      %dma_start3A_25 = arith.constant 0 : i32
      %dma_start3A_26 = tpu.memref_slice %arg3[%scan3A_16, %dma_start3A_25] : memref<26x1000000xf32, #tpu.memory_space<hbm>> -> memref<1x1000000xf32, #tpu.memory_space<hbm>>
      %dma_start3A_27 = tpu.memref_squeeze %dma_start3A_26 : memref<1x1000000xf32, #tpu.memory_space<hbm>> -> memref<1000000xf32, #tpu.memory_space<hbm>>
      %dma_start3A_28 = arith.constant 0 : i32
      %dma_start3A_29 = tpu.memref_slice %dma_start3A_27[%dma_start3A_28] : memref<1000000xf32, #tpu.memory_space<hbm>> -> memref<1000000xf32, #tpu.memory_space<hbm>>
      tpu.enqueue_indirect_dma source(%dma_start3A_29 : memref<1000000xf32, #tpu.memory_space<hbm>>) target(%dma_start3A_21 : memref<128xf32, #tpu.memory_space<vmem>>) offsets(%dma_start3A_24 : memref<128xi32, #tpu.memory_space<vmem>>) semaphore(%arg8 : memref<!tpu.dma_semaphore, #tpu.memory_space<semaphore_mem>>)
      %dma_start3A_30 = arith.constant 1 : i32
      %dma_start3A_31 = arith.constant 1 : i32
      %dma_start3A_32 = arith.constant 0 : i32
      %dma_start3A_33 = tpu.memref_slice %arg6[%dma_start3A_31, %dma_start3A_32] : memref<4x128xf32, #tpu.memory_space<vmem>> -> memref<1x128xf32, #tpu.memory_space<vmem>>
      %dma_start3A_34 = tpu.memref_squeeze %dma_start3A_33 : memref<1x128xf32, #tpu.memory_space<vmem>> -> memref<128xf32, #tpu.memory_space<vmem>>
      %dma_start3A_35 = arith.constant 0 : i32
      %dma_start3A_36 = tpu.memref_slice %arg5[%scan3A_16, %dma_start3A_30, %dma_start3A_35] : memref<26x4x128xi32, #tpu.memory_space<vmem>> -> memref<1x1x128xi32, #tpu.memory_space<vmem>>
      %dma_start3A_37 = tpu.memref_squeeze %dma_start3A_36 : memref<1x1x128xi32, #tpu.memory_space<vmem>> -> memref<128xi32, #tpu.memory_space<vmem>>
      %dma_start3A_38 = arith.constant 0 : i32
      %dma_start3A_39 = tpu.memref_slice %arg3[%scan3A_16, %dma_start3A_38] : memref<26x1000000xf32, #tpu.memory_space<hbm>> -> memref<1x1000000xf32, #tpu.memory_space<hbm>>
      %dma_start3A_40 = tpu.memref_squeeze %dma_start3A_39 : memref<1x1000000xf32, #tpu.memory_space<hbm>> -> memref<1000000xf32, #tpu.memory_space<hbm>>
      %dma_start3A_41 = arith.constant 0 : i32
      %dma_start3A_42 = tpu.memref_slice %dma_start3A_40[%dma_start3A_41] : memref<1000000xf32, #tpu.memory_space<hbm>> -> memref<1000000xf32, #tpu.memory_space<hbm>>
      tpu.enqueue_indirect_dma source(%dma_start3A_42 : memref<1000000xf32, #tpu.memory_space<hbm>>) target(%dma_start3A_34 : memref<128xf32, #tpu.memory_space<vmem>>) offsets(%dma_start3A_37 : memref<128xi32, #tpu.memory_space<vmem>>) semaphore(%arg8 : memref<!tpu.dma_semaphore, #tpu.memory_space<semaphore_mem>>)
      %dma_start3A_43 = arith.constant 2 : i32
      %dma_start3A_44 = arith.constant 2 : i32
      %dma_start3A_45 = arith.constant 0 : i32
      %dma_start3A_46 = tpu.memref_slice %arg6[%dma_start3A_44, %dma_start3A_45] : memref<4x128xf32, #tpu.memory_space<vmem>> -> memref<1x128xf32, #tpu.memory_space<vmem>>
      %dma_start3A_47 = tpu.memref_squeeze %dma_start3A_46 : memref<1x128xf32, #tpu.memory_space<vmem>> -> memref<128xf32, #tpu.memory_space<vmem>>
      %dma_start3A_48 = arith.constant 0 : i32
      %dma_start3A_49 = tpu.memref_slice %arg5[%scan3A_16, %dma_start3A_43, %dma_start3A_48] : memref<26x4x128xi32, #tpu.memory_space<vmem>> -> memref<1x1x128xi32, #tpu.memory_space<vmem>>
      %dma_start3A_50 = tpu.memref_squeeze %dma_start3A_49 : memref<1x1x128xi32, #tpu.memory_space<vmem>> -> memref<128xi32, #tpu.memory_space<vmem>>
      %dma_start3A_51 = arith.constant 0 : i32
      %dma_start3A_52 = tpu.memref_slice %arg3[%scan3A_16, %dma_start3A_51] : memref<26x1000000xf32, #tpu.memory_space<hbm>> -> memref<1x1000000xf32, #tpu.memory_space<hbm>>
      %dma_start3A_53 = tpu.memref_squeeze %dma_start3A_52 : memref<1x1000000xf32, #tpu.memory_space<hbm>> -> memref<1000000xf32, #tpu.memory_space<hbm>>
      %dma_start3A_54 = arith.constant 0 : i32
      %dma_start3A_55 = tpu.memref_slice %dma_start3A_53[%dma_start3A_54] : memref<1000000xf32, #tpu.memory_space<hbm>> -> memref<1000000xf32, #tpu.memory_space<hbm>>
      tpu.enqueue_indirect_dma source(%dma_start3A_55 : memref<1000000xf32, #tpu.memory_space<hbm>>) target(%dma_start3A_47 : memref<128xf32, #tpu.memory_space<vmem>>) offsets(%dma_start3A_50 : memref<128xi32, #tpu.memory_space<vmem>>) semaphore(%arg8 : memref<!tpu.dma_semaphore, #tpu.memory_space<semaphore_mem>>)
      %dma_start3A_56 = arith.constant 3 : i32
      %dma_start3A_57 = arith.constant 3 : i32
      %dma_start3A_58 = arith.constant 0 : i32
      %dma_start3A_59 = tpu.memref_slice %arg6[%dma_start3A_57, %dma_start3A_58] : memref<4x128xf32, #tpu.memory_space<vmem>> -> memref<1x128xf32, #tpu.memory_space<vmem>>
      %dma_start3A_60 = tpu.memref_squeeze %dma_start3A_59 : memref<1x128xf32, #tpu.memory_space<vmem>> -> memref<128xf32, #tpu.memory_space<vmem>>
      %dma_start3A_61 = arith.constant 0 : i32
      %dma_start3A_62 = tpu.memref_slice %arg5[%scan3A_16, %dma_start3A_56, %dma_start3A_61] : memref<26x4x128xi32, #tpu.memory_space<vmem>> -> memref<1x1x128xi32, #tpu.memory_space<vmem>>
      %dma_start3A_63 = tpu.memref_squeeze %dma_start3A_62 : memref<1x1x128xi32, #tpu.memory_space<vmem>> -> memref<128xi32, #tpu.memory_space<vmem>>
      %dma_start3A_64 = arith.constant 0 : i32
      %dma_start3A_65 = tpu.memref_slice %arg3[%scan3A_16, %dma_start3A_64] : memref<26x1000000xf32, #tpu.memory_space<hbm>> -> memref<1x1000000xf32, #tpu.memory_space<hbm>>
      %dma_start3A_66 = tpu.memref_squeeze %dma_start3A_65 : memref<1x1000000xf32, #tpu.memory_space<hbm>> -> memref<1000000xf32, #tpu.memory_space<hbm>>
      %dma_start3A_67 = arith.constant 0 : i32
      %dma_start3A_68 = tpu.memref_slice %dma_start3A_66[%dma_start3A_67] : memref<1000000xf32, #tpu.memory_space<hbm>> -> memref<1000000xf32, #tpu.memory_space<hbm>>
      tpu.enqueue_indirect_dma source(%dma_start3A_68 : memref<1000000xf32, #tpu.memory_space<hbm>>) target(%dma_start3A_60 : memref<128xf32, #tpu.memory_space<vmem>>) offsets(%dma_start3A_63 : memref<128xi32, #tpu.memory_space<vmem>>) semaphore(%arg8 : memref<!tpu.dma_semaphore, #tpu.memory_space<semaphore_mem>>)
      %dma_wait3A = arith.constant 0 : i32
      %dma_wait3A_69 = arith.constant 0 : i32
      %dma_wait3A_70 = arith.constant 0 : i32
      %dma_wait3A_71 = tpu.memref_slice %arg6[%dma_wait3A_69, %dma_wait3A_70] : memref<4x128xf32, #tpu.memory_space<vmem>> -> memref<1x128xf32, #tpu.memory_space<vmem>>
      %dma_wait3A_72 = tpu.memref_squeeze %dma_wait3A_71 : memref<1x128xf32, #tpu.memory_space<vmem>> -> memref<128xf32, #tpu.memory_space<vmem>>
      %dma_wait3A_73 = arith.constant 0 : i32
      %dma_wait3A_74 = tpu.memref_slice %arg5[%scan3A_16, %dma_wait3A, %dma_wait3A_73] : memref<26x4x128xi32, #tpu.memory_space<vmem>> -> memref<1x1x128xi32, #tpu.memory_space<vmem>>
      %dma_wait3A_75 = tpu.memref_squeeze %dma_wait3A_74 : memref<1x1x128xi32, #tpu.memory_space<vmem>> -> memref<128xi32, #tpu.memory_space<vmem>>
      %dma_wait3A_76 = arith.constant 0 : i32
      %dma_wait3A_77 = tpu.memref_slice %arg3[%scan3A_16, %dma_wait3A_76] : memref<26x1000000xf32, #tpu.memory_space<hbm>> -> memref<1x1000000xf32, #tpu.memory_space<hbm>>
      %dma_wait3A_78 = tpu.memref_squeeze %dma_wait3A_77 : memref<1x1000000xf32, #tpu.memory_space<hbm>> -> memref<1000000xf32, #tpu.memory_space<hbm>>
      %dma_wait3A_79 = arith.constant 0 : i32
      %dma_wait3A_80 = tpu.memref_slice %dma_wait3A_78[%dma_wait3A_79] : memref<1000000xf32, #tpu.memory_space<hbm>> -> memref<1000000xf32, #tpu.memory_space<hbm>>
      tpu.wait_indirect_dma semaphore(%arg8 : memref<!tpu.dma_semaphore, #tpu.memory_space<semaphore_mem>>) src(%dma_wait3A_80 : memref<1000000xf32, #tpu.memory_space<hbm>>) dst(%dma_wait3A_72 : memref<128xf32, #tpu.memory_space<vmem>>)
      %dma_wait3A_81 = arith.constant 1 : i32
      %dma_wait3A_82 = arith.constant 1 : i32
      %dma_wait3A_83 = arith.constant 0 : i32
      %dma_wait3A_84 = tpu.memref_slice %arg6[%dma_wait3A_82, %dma_wait3A_83] : memref<4x128xf32, #tpu.memory_space<vmem>> -> memref<1x128xf32, #tpu.memory_space<vmem>>
      %dma_wait3A_85 = tpu.memref_squeeze %dma_wait3A_84 : memref<1x128xf32, #tpu.memory_space<vmem>> -> memref<128xf32, #tpu.memory_space<vmem>>
      %dma_wait3A_86 = arith.constant 0 : i32
      %dma_wait3A_87 = tpu.memref_slice %arg5[%scan3A_16, %dma_wait3A_81, %dma_wait3A_86] : memref<26x4x128xi32, #tpu.memory_space<vmem>> -> memref<1x1x128xi32, #tpu.memory_space<vmem>>
      %dma_wait3A_88 = tpu.memref_squeeze %dma_wait3A_87 : memref<1x1x128xi32, #tpu.memory_space<vmem>> -> memref<128xi32, #tpu.memory_space<vmem>>
      %dma_wait3A_89 = arith.constant 0 : i32
      %dma_wait3A_90 = tpu.memref_slice %arg3[%scan3A_16, %dma_wait3A_89] : memref<26x1000000xf32, #tpu.memory_space<hbm>> -> memref<1x1000000xf32, #tpu.memory_space<hbm>>
      %dma_wait3A_91 = tpu.memref_squeeze %dma_wait3A_90 : memref<1x1000000xf32, #tpu.memory_space<hbm>> -> memref<1000000xf32, #tpu.memory_space<hbm>>
      %dma_wait3A_92 = arith.constant 0 : i32
      %dma_wait3A_93 = tpu.memref_slice %dma_wait3A_91[%dma_wait3A_92] : memref<1000000xf32, #tpu.memory_space<hbm>> -> memref<1000000xf32, #tpu.memory_space<hbm>>
      tpu.wait_indirect_dma semaphore(%arg8 : memref<!tpu.dma_semaphore, #tpu.memory_space<semaphore_mem>>) src(%dma_wait3A_93 : memref<1000000xf32, #tpu.memory_space<hbm>>) dst(%dma_wait3A_85 : memref<128xf32, #tpu.memory_space<vmem>>)
      %dma_wait3A_94 = arith.constant 2 : i32
      %dma_wait3A_95 = arith.constant 2 : i32
      %dma_wait3A_96 = arith.constant 0 : i32
      %dma_wait3A_97 = tpu.memref_slice %arg6[%dma_wait3A_95, %dma_wait3A_96] : memref<4x128xf32, #tpu.memory_space<vmem>> -> memref<1x128xf32, #tpu.memory_space<vmem>>
      %dma_wait3A_98 = tpu.memref_squeeze %dma_wait3A_97 : memref<1x128xf32, #tpu.memory_space<vmem>> -> memref<128xf32, #tpu.memory_space<vmem>>
      %dma_wait3A_99 = arith.constant 0 : i32
      %dma_wait3A_100 = tpu.memref_slice %arg5[%scan3A_16, %dma_wait3A_94, %dma_wait3A_99] : memref<26x4x128xi32, #tpu.memory_space<vmem>> -> memref<1x1x128xi32, #tpu.memory_space<vmem>>
      %dma_wait3A_101 = tpu.memref_squeeze %dma_wait3A_100 : memref<1x1x128xi32, #tpu.memory_space<vmem>> -> memref<128xi32, #tpu.memory_space<vmem>>
      %dma_wait3A_102 = arith.constant 0 : i32
      %dma_wait3A_103 = tpu.memref_slice %arg3[%scan3A_16, %dma_wait3A_102] : memref<26x1000000xf32, #tpu.memory_space<hbm>> -> memref<1x1000000xf32, #tpu.memory_space<hbm>>
      %dma_wait3A_104 = tpu.memref_squeeze %dma_wait3A_103 : memref<1x1000000xf32, #tpu.memory_space<hbm>> -> memref<1000000xf32, #tpu.memory_space<hbm>>
      %dma_wait3A_105 = arith.constant 0 : i32
      %dma_wait3A_106 = tpu.memref_slice %dma_wait3A_104[%dma_wait3A_105] : memref<1000000xf32, #tpu.memory_space<hbm>> -> memref<1000000xf32, #tpu.memory_space<hbm>>
      tpu.wait_indirect_dma semaphore(%arg8 : memref<!tpu.dma_semaphore, #tpu.memory_space<semaphore_mem>>) src(%dma_wait3A_106 : memref<1000000xf32, #tpu.memory_space<hbm>>) dst(%dma_wait3A_98 : memref<128xf32, #tpu.memory_space<vmem>>)
      %dma_wait3A_107 = arith.constant 3 : i32
      %dma_wait3A_108 = arith.constant 3 : i32
      %dma_wait3A_109 = arith.constant 0 : i32
      %dma_wait3A_110 = tpu.memref_slice %arg6[%dma_wait3A_108, %dma_wait3A_109] : memref<4x128xf32, #tpu.memory_space<vmem>> -> memref<1x128xf32, #tpu.memory_space<vmem>>
      %dma_wait3A_111 = tpu.memref_squeeze %dma_wait3A_110 : memref<1x128xf32, #tpu.memory_space<vmem>> -> memref<128xf32, #tpu.memory_space<vmem>>
      %dma_wait3A_112 = arith.constant 0 : i32
      %dma_wait3A_113 = tpu.memref_slice %arg5[%scan3A_16, %dma_wait3A_107, %dma_wait3A_112] : memref<26x4x128xi32, #tpu.memory_space<vmem>> -> memref<1x1x128xi32, #tpu.memory_space<vmem>>
      %dma_wait3A_114 = tpu.memref_squeeze %dma_wait3A_113 : memref<1x1x128xi32, #tpu.memory_space<vmem>> -> memref<128xi32, #tpu.memory_space<vmem>>
      %dma_wait3A_115 = arith.constant 0 : i32
      %dma_wait3A_116 = tpu.memref_slice %arg3[%scan3A_16, %dma_wait3A_115] : memref<26x1000000xf32, #tpu.memory_space<hbm>> -> memref<1x1000000xf32, #tpu.memory_space<hbm>>
      %dma_wait3A_117 = tpu.memref_squeeze %dma_wait3A_116 : memref<1x1000000xf32, #tpu.memory_space<hbm>> -> memref<1000000xf32, #tpu.memory_space<hbm>>
      %dma_wait3A_118 = arith.constant 0 : i32
      %dma_wait3A_119 = tpu.memref_slice %dma_wait3A_117[%dma_wait3A_118] : memref<1000000xf32, #tpu.memory_space<hbm>> -> memref<1000000xf32, #tpu.memory_space<hbm>>
      tpu.wait_indirect_dma semaphore(%arg8 : memref<!tpu.dma_semaphore, #tpu.memory_space<semaphore_mem>>) src(%dma_wait3A_119 : memref<1000000xf32, #tpu.memory_space<hbm>>) dst(%dma_wait3A_111 : memref<128xf32, #tpu.memory_space<vmem>>)
      %eq3A = arith.constant 0 : i32
      %eq3A_120 = arith.cmpi eq, %scan3A_16, %eq3A : i32
      %convert_element_type3A = arith.extui %eq3A_120 : i1 to i32
      %cond3A = arith.constant 0 : i32
      %cond3A_121 = arith.cmpi ne, %convert_element_type3A, %cond3A : i32
      scf.if %cond3A_121 {
        %get3A = arith.constant 0 : i32
        %get3A_127 = arith.index_cast %get3A : i32 to index
        %get3A_128 = arith.constant 0 : index
        %get3A_129 = tpu.vector_load %arg6[%get3A_127, %get3A_128] {strides = array<i32>} : memref<4x128xf32, #tpu.memory_space<vmem>>, vector<1x16xf32>,
        %get3A_130 = vector.shape_cast %get3A_129 : vector<1x16xf32> to vector<16xf32>
        %swap3A = arith.constant 0 : index
        %swap3A_131 = tpu.vector_load %arg7[%swap3A] {strides = array<i32>} : memref<512xf32, #tpu.memory_space<vmem>>, vector<16xf32>,
        %swap3A_132 = vector.shape_cast %swap3A_131 : vector<16xf32> to vector<16xf32>
        %swap3A_133 = vector.shape_cast %get3A_130 : vector<16xf32> to vector<16xf32>
        tpu.vector_store %arg7[%swap3A], %swap3A_133 {strides = array<i32>} : memref<512xf32, #tpu.memory_space<vmem>>, vector<16xf32>,
        %get3A_134 = arith.constant 0 : i32
        %get3A_135 = arith.index_cast %get3A_134 : i32 to index
        %get3A_136 = arith.constant 16 : index
        %get3A_137 = tpu.vector_load %arg6[%get3A_135, %get3A_136] {strides = array<i32>} : memref<4x128xf32, #tpu.memory_space<vmem>>, vector<1x16xf32>,
        %get3A_138 = vector.shape_cast %get3A_137 : vector<1x16xf32> to vector<16xf32>
        %swap3A_139 = arith.constant 16 : index
        %swap3A_140 = tpu.vector_load %arg7[%swap3A_139] {strides = array<i32>} : memref<512xf32, #tpu.memory_space<vmem>>, vector<16xf32>,
        %swap3A_141 = vector.shape_cast %swap3A_140 : vector<16xf32> to vector<16xf32>
        %swap3A_142 = vector.shape_cast %get3A_138 : vector<16xf32> to vector<16xf32>
        tpu.vector_store %arg7[%swap3A_139], %swap3A_142 {strides = array<i32>} : memref<512xf32, #tpu.memory_space<vmem>>, vector<16xf32>,
        %get3A_143 = arith.constant 0 : i32
        %get3A_144 = arith.index_cast %get3A_143 : i32 to index
        %get3A_145 = arith.constant 32 : index
        %get3A_146 = tpu.vector_load %arg6[%get3A_144, %get3A_145] {strides = array<i32>} : memref<4x128xf32, #tpu.memory_space<vmem>>, vector<1x16xf32>,
        %get3A_147 = vector.shape_cast %get3A_146 : vector<1x16xf32> to vector<16xf32>
        %swap3A_148 = arith.constant 32 : index
        %swap3A_149 = tpu.vector_load %arg7[%swap3A_148] {strides = array<i32>} : memref<512xf32, #tpu.memory_space<vmem>>, vector<16xf32>,
        %swap3A_150 = vector.shape_cast %swap3A_149 : vector<16xf32> to vector<16xf32>
        %swap3A_151 = vector.shape_cast %get3A_147 : vector<16xf32> to vector<16xf32>
        tpu.vector_store %arg7[%swap3A_148], %swap3A_151 {strides = array<i32>} : memref<512xf32, #tpu.memory_space<vmem>>, vector<16xf32>,
        %get3A_152 = arith.constant 0 : i32
        %get3A_153 = arith.index_cast %get3A_152 : i32 to index
        %get3A_154 = arith.constant 48 : index
        %get3A_155 = tpu.vector_load %arg6[%get3A_153, %get3A_154] {strides = array<i32>} : memref<4x128xf32, #tpu.memory_space<vmem>>, vector<1x16xf32>,
        %get3A_156 = vector.shape_cast %get3A_155 : vector<1x16xf32> to vector<16xf32>
        %swap3A_157 = arith.constant 48 : index
        %swap3A_158 = tpu.vector_load %arg7[%swap3A_157] {strides = array<i32>} : memref<512xf32, #tpu.memory_space<vmem>>, vector<16xf32>,
        %swap3A_159 = vector.shape_cast %swap3A_158 : vector<16xf32> to vector<16xf32>
        %swap3A_160 = vector.shape_cast %get3A_156 : vector<16xf32> to vector<16xf32>
        tpu.vector_store %arg7[%swap3A_157], %swap3A_160 {strides = array<i32>} : memref<512xf32, #tpu.memory_space<vmem>>, vector<16xf32>,
        %get3A_161 = arith.constant 0 : i32
        %get3A_162 = arith.index_cast %get3A_161 : i32 to index
        %get3A_163 = arith.constant 64 : index
        %get3A_164 = tpu.vector_load %arg6[%get3A_162, %get3A_163] {strides = array<i32>} : memref<4x128xf32, #tpu.memory_space<vmem>>, vector<1x16xf32>,
        %get3A_165 = vector.shape_cast %get3A_164 : vector<1x16xf32> to vector<16xf32>
        %swap3A_166 = arith.constant 64 : index
        %swap3A_167 = tpu.vector_load %arg7[%swap3A_166] {strides = array<i32>} : memref<512xf32, #tpu.memory_space<vmem>>, vector<16xf32>,
        %swap3A_168 = vector.shape_cast %swap3A_167 : vector<16xf32> to vector<16xf32>
        %swap3A_169 = vector.shape_cast %get3A_165 : vector<16xf32> to vector<16xf32>
        tpu.vector_store %arg7[%swap3A_166], %swap3A_169 {strides = array<i32>} : memref<512xf32, #tpu.memory_space<vmem>>, vector<16xf32>,
        %get3A_170 = arith.constant 0 : i32
        %get3A_171 = arith.index_cast %get3A_170 : i32 to index
        %get3A_172 = arith.constant 80 : index
        %get3A_173 = tpu.vector_load %arg6[%get3A_171, %get3A_172] {strides = array<i32>} : memref<4x128xf32, #tpu.memory_space<vmem>>, vector<1x16xf32>,
        %get3A_174 = vector.shape_cast %get3A_173 : vector<1x16xf32> to vector<16xf32>
        %swap3A_175 = arith.constant 80 : index
        %swap3A_176 = tpu.vector_load %arg7[%swap3A_175] {strides = array<i32>} : memref<512xf32, #tpu.memory_space<vmem>>, vector<16xf32>,
        %swap3A_177 = vector.shape_cast %swap3A_176 : vector<16xf32> to vector<16xf32>
        %swap3A_178 = vector.shape_cast %get3A_174 : vector<16xf32> to vector<16xf32>
        tpu.vector_store %arg7[%swap3A_175], %swap3A_178 {strides = array<i32>} : memref<512xf32, #tpu.memory_space<vmem>>, vector<16xf32>,
        %get3A_179 = arith.constant 0 : i32
        %get3A_180 = arith.index_cast %get3A_179 : i32 to index
        %get3A_181 = arith.constant 96 : index
        %get3A_182 = tpu.vector_load %arg6[%get3A_180, %get3A_181] {strides = array<i32>} : memref<4x128xf32, #tpu.memory_space<vmem>>, vector<1x16xf32>,
        %get3A_183 = vector.shape_cast %get3A_182 : vector<1x16xf32> to vector<16xf32>
        %swap3A_184 = arith.constant 96 : index
        %swap3A_185 = tpu.vector_load %arg7[%swap3A_184] {strides = array<i32>} : memref<512xf32, #tpu.memory_space<vmem>>, vector<16xf32>,
        %swap3A_186 = vector.shape_cast %swap3A_185 : vector<16xf32> to vector<16xf32>
        %swap3A_187 = vector.shape_cast %get3A_183 : vector<16xf32> to vector<16xf32>
        tpu.vector_store %arg7[%swap3A_184], %swap3A_187 {strides = array<i32>} : memref<512xf32, #tpu.memory_space<vmem>>, vector<16xf32>,
        %get3A_188 = arith.constant 0 : i32
        %get3A_189 = arith.index_cast %get3A_188 : i32 to index
        %get3A_190 = arith.constant 112 : index
        %get3A_191 = tpu.vector_load %arg6[%get3A_189, %get3A_190] {strides = array<i32>} : memref<4x128xf32, #tpu.memory_space<vmem>>, vector<1x16xf32>,
        %get3A_192 = vector.shape_cast %get3A_191 : vector<1x16xf32> to vector<16xf32>
        %swap3A_193 = arith.constant 112 : index
        %swap3A_194 = tpu.vector_load %arg7[%swap3A_193] {strides = array<i32>} : memref<512xf32, #tpu.memory_space<vmem>>, vector<16xf32>,
        %swap3A_195 = vector.shape_cast %swap3A_194 : vector<16xf32> to vector<16xf32>
        %swap3A_196 = vector.shape_cast %get3A_192 : vector<16xf32> to vector<16xf32>
        tpu.vector_store %arg7[%swap3A_193], %swap3A_196 {strides = array<i32>} : memref<512xf32, #tpu.memory_space<vmem>>, vector<16xf32>,
        %get3A_197 = arith.constant 1 : i32
        %get3A_198 = arith.index_cast %get3A_197 : i32 to index
        %get3A_199 = arith.constant 0 : index
        %get3A_200 = tpu.vector_load %arg6[%get3A_198, %get3A_199] {strides = array<i32>} : memref<4x128xf32, #tpu.memory_space<vmem>>, vector<1x16xf32>,
        %get3A_201 = vector.shape_cast %get3A_200 : vector<1x16xf32> to vector<16xf32>
        %swap3A_202 = arith.constant 128 : index
        %swap3A_203 = tpu.vector_load %arg7[%swap3A_202] {strides = array<i32>} : memref<512xf32, #tpu.memory_space<vmem>>, vector<16xf32>,
        %swap3A_204 = vector.shape_cast %swap3A_203 : vector<16xf32> to vector<16xf32>
        %swap3A_205 = vector.shape_cast %get3A_201 : vector<16xf32> to vector<16xf32>
        tpu.vector_store %arg7[%swap3A_202], %swap3A_205 {strides = array<i32>} : memref<512xf32, #tpu.memory_space<vmem>>, vector<16xf32>,
        %get3A_206 = arith.constant 1 : i32
        %get3A_207 = arith.index_cast %get3A_206 : i32 to index
        %get3A_208 = arith.constant 16 : index
        %get3A_209 = tpu.vector_load %arg6[%get3A_207, %get3A_208] {strides = array<i32>} : memref<4x128xf32, #tpu.memory_space<vmem>>, vector<1x16xf32>,
        %get3A_210 = vector.shape_cast %get3A_209 : vector<1x16xf32> to vector<16xf32>
        %swap3A_211 = arith.constant 144 : index
        %swap3A_212 = tpu.vector_load %arg7[%swap3A_211] {strides = array<i32>} : memref<512xf32, #tpu.memory_space<vmem>>, vector<16xf32>,
        %swap3A_213 = vector.shape_cast %swap3A_212 : vector<16xf32> to vector<16xf32>
        %swap3A_214 = vector.shape_cast %get3A_210 : vector<16xf32> to vector<16xf32>
        tpu.vector_store %arg7[%swap3A_211], %swap3A_214 {strides = array<i32>} : memref<512xf32, #tpu.memory_space<vmem>>, vector<16xf32>,
        %get3A_215 = arith.constant 1 : i32
        %get3A_216 = arith.index_cast %get3A_215 : i32 to index
        %get3A_217 = arith.constant 32 : index
        %get3A_218 = tpu.vector_load %arg6[%get3A_216, %get3A_217] {strides = array<i32>} : memref<4x128xf32, #tpu.memory_space<vmem>>, vector<1x16xf32>,
        %get3A_219 = vector.shape_cast %get3A_218 : vector<1x16xf32> to vector<16xf32>
        %swap3A_220 = arith.constant 160 : index
        %swap3A_221 = tpu.vector_load %arg7[%swap3A_220] {strides = array<i32>} : memref<512xf32, #tpu.memory_space<vmem>>, vector<16xf32>,
        %swap3A_222 = vector.shape_cast %swap3A_221 : vector<16xf32> to vector<16xf32>
        %swap3A_223 = vector.shape_cast %get3A_219 : vector<16xf32> to vector<16xf32>
        tpu.vector_store %arg7[%swap3A_220], %swap3A_223 {strides = array<i32>} : memref<512xf32, #tpu.memory_space<vmem>>, vector<16xf32>,
        %get3A_224 = arith.constant 1 : i32
        %get3A_225 = arith.index_cast %get3A_224 : i32 to index
        %get3A_226 = arith.constant 48 : index
        %get3A_227 = tpu.vector_load %arg6[%get3A_225, %get3A_226] {strides = array<i32>} : memref<4x128xf32, #tpu.memory_space<vmem>>, vector<1x16xf32>,
        %get3A_228 = vector.shape_cast %get3A_227 : vector<1x16xf32> to vector<16xf32>
        %swap3A_229 = arith.constant 176 : index
        %swap3A_230 = tpu.vector_load %arg7[%swap3A_229] {strides = array<i32>} : memref<512xf32, #tpu.memory_space<vmem>>, vector<16xf32>,
        %swap3A_231 = vector.shape_cast %swap3A_230 : vector<16xf32> to vector<16xf32>
        %swap3A_232 = vector.shape_cast %get3A_228 : vector<16xf32> to vector<16xf32>
        tpu.vector_store %arg7[%swap3A_229], %swap3A_232 {strides = array<i32>} : memref<512xf32, #tpu.memory_space<vmem>>, vector<16xf32>,
        %get3A_233 = arith.constant 1 : i32
        %get3A_234 = arith.index_cast %get3A_233 : i32 to index
        %get3A_235 = arith.constant 64 : index
        %get3A_236 = tpu.vector_load %arg6[%get3A_234, %get3A_235] {strides = array<i32>} : memref<4x128xf32, #tpu.memory_space<vmem>>, vector<1x16xf32>,
        %get3A_237 = vector.shape_cast %get3A_236 : vector<1x16xf32> to vector<16xf32>
        %swap3A_238 = arith.constant 192 : index
        %swap3A_239 = tpu.vector_load %arg7[%swap3A_238] {strides = array<i32>} : memref<512xf32, #tpu.memory_space<vmem>>, vector<16xf32>,
        %swap3A_240 = vector.shape_cast %swap3A_239 : vector<16xf32> to vector<16xf32>
        %swap3A_241 = vector.shape_cast %get3A_237 : vector<16xf32> to vector<16xf32>
        tpu.vector_store %arg7[%swap3A_238], %swap3A_241 {strides = array<i32>} : memref<512xf32, #tpu.memory_space<vmem>>, vector<16xf32>,
        %get3A_242 = arith.constant 1 : i32
        %get3A_243 = arith.index_cast %get3A_242 : i32 to index
        %get3A_244 = arith.constant 80 : index
        %get3A_245 = tpu.vector_load %arg6[%get3A_243, %get3A_244] {strides = array<i32>} : memref<4x128xf32, #tpu.memory_space<vmem>>, vector<1x16xf32>,
        %get3A_246 = vector.shape_cast %get3A_245 : vector<1x16xf32> to vector<16xf32>
        %swap3A_247 = arith.constant 208 : index
        %swap3A_248 = tpu.vector_load %arg7[%swap3A_247] {strides = array<i32>} : memref<512xf32, #tpu.memory_space<vmem>>, vector<16xf32>,
        %swap3A_249 = vector.shape_cast %swap3A_248 : vector<16xf32> to vector<16xf32>
        %swap3A_250 = vector.shape_cast %get3A_246 : vector<16xf32> to vector<16xf32>
        tpu.vector_store %arg7[%swap3A_247], %swap3A_250 {strides = array<i32>} : memref<512xf32, #tpu.memory_space<vmem>>, vector<16xf32>,
        %get3A_251 = arith.constant 1 : i32
        %get3A_252 = arith.index_cast %get3A_251 : i32 to index
        %get3A_253 = arith.constant 96 : index
        %get3A_254 = tpu.vector_load %arg6[%get3A_252, %get3A_253] {strides = array<i32>} : memref<4x128xf32, #tpu.memory_space<vmem>>, vector<1x16xf32>,
        %get3A_255 = vector.shape_cast %get3A_254 : vector<1x16xf32> to vector<16xf32>
        %swap3A_256 = arith.constant 224 : index
        %swap3A_257 = tpu.vector_load %arg7[%swap3A_256] {strides = array<i32>} : memref<512xf32, #tpu.memory_space<vmem>>, vector<16xf32>,
        %swap3A_258 = vector.shape_cast %swap3A_257 : vector<16xf32> to vector<16xf32>
        %swap3A_259 = vector.shape_cast %get3A_255 : vector<16xf32> to vector<16xf32>
        tpu.vector_store %arg7[%swap3A_256], %swap3A_259 {strides = array<i32>} : memref<512xf32, #tpu.memory_space<vmem>>, vector<16xf32>,
        %get3A_260 = arith.constant 1 : i32
        %get3A_261 = arith.index_cast %get3A_260 : i32 to index
        %get3A_262 = arith.constant 112 : index
        %get3A_263 = tpu.vector_load %arg6[%get3A_261, %get3A_262] {strides = array<i32>} : memref<4x128xf32, #tpu.memory_space<vmem>>, vector<1x16xf32>,
        %get3A_264 = vector.shape_cast %get3A_263 : vector<1x16xf32> to vector<16xf32>
        %swap3A_265 = arith.constant 240 : index
        %swap3A_266 = tpu.vector_load %arg7[%swap3A_265] {strides = array<i32>} : memref<512xf32, #tpu.memory_space<vmem>>, vector<16xf32>,
        %swap3A_267 = vector.shape_cast %swap3A_266 : vector<16xf32> to vector<16xf32>
        %swap3A_268 = vector.shape_cast %get3A_264 : vector<16xf32> to vector<16xf32>
        tpu.vector_store %arg7[%swap3A_265], %swap3A_268 {strides = array<i32>} : memref<512xf32, #tpu.memory_space<vmem>>, vector<16xf32>,
        %get3A_269 = arith.constant 2 : i32
        %get3A_270 = arith.index_cast %get3A_269 : i32 to index
        %get3A_271 = arith.constant 0 : index
        %get3A_272 = tpu.vector_load %arg6[%get3A_270, %get3A_271] {strides = array<i32>} : memref<4x128xf32, #tpu.memory_space<vmem>>, vector<1x16xf32>,
        %get3A_273 = vector.shape_cast %get3A_272 : vector<1x16xf32> to vector<16xf32>
        %swap3A_274 = arith.constant 256 : index
        %swap3A_275 = tpu.vector_load %arg7[%swap3A_274] {strides = array<i32>} : memref<512xf32, #tpu.memory_space<vmem>>, vector<16xf32>,
        %swap3A_276 = vector.shape_cast %swap3A_275 : vector<16xf32> to vector<16xf32>
        %swap3A_277 = vector.shape_cast %get3A_273 : vector<16xf32> to vector<16xf32>
        tpu.vector_store %arg7[%swap3A_274], %swap3A_277 {strides = array<i32>} : memref<512xf32, #tpu.memory_space<vmem>>, vector<16xf32>,
        %get3A_278 = arith.constant 2 : i32
        %get3A_279 = arith.index_cast %get3A_278 : i32 to index
        %get3A_280 = arith.constant 16 : index
        %get3A_281 = tpu.vector_load %arg6[%get3A_279, %get3A_280] {strides = array<i32>} : memref<4x128xf32, #tpu.memory_space<vmem>>, vector<1x16xf32>,
        %get3A_282 = vector.shape_cast %get3A_281 : vector<1x16xf32> to vector<16xf32>
        %swap3A_283 = arith.constant 272 : index
        %swap3A_284 = tpu.vector_load %arg7[%swap3A_283] {strides = array<i32>} : memref<512xf32, #tpu.memory_space<vmem>>, vector<16xf32>,
        %swap3A_285 = vector.shape_cast %swap3A_284 : vector<16xf32> to vector<16xf32>
        %swap3A_286 = vector.shape_cast %get3A_282 : vector<16xf32> to vector<16xf32>
        tpu.vector_store %arg7[%swap3A_283], %swap3A_286 {strides = array<i32>} : memref<512xf32, #tpu.memory_space<vmem>>, vector<16xf32>,
        %get3A_287 = arith.constant 2 : i32
        %get3A_288 = arith.index_cast %get3A_287 : i32 to index
        %get3A_289 = arith.constant 32 : index
        %get3A_290 = tpu.vector_load %arg6[%get3A_288, %get3A_289] {strides = array<i32>} : memref<4x128xf32, #tpu.memory_space<vmem>>, vector<1x16xf32>,
        %get3A_291 = vector.shape_cast %get3A_290 : vector<1x16xf32> to vector<16xf32>
        %swap3A_292 = arith.constant 288 : index
        %swap3A_293 = tpu.vector_load %arg7[%swap3A_292] {strides = array<i32>} : memref<512xf32, #tpu.memory_space<vmem>>, vector<16xf32>,
        %swap3A_294 = vector.shape_cast %swap3A_293 : vector<16xf32> to vector<16xf32>
        %swap3A_295 = vector.shape_cast %get3A_291 : vector<16xf32> to vector<16xf32>
        tpu.vector_store %arg7[%swap3A_292], %swap3A_295 {strides = array<i32>} : memref<512xf32, #tpu.memory_space<vmem>>, vector<16xf32>,
        %get3A_296 = arith.constant 2 : i32
        %get3A_297 = arith.index_cast %get3A_296 : i32 to index
        %get3A_298 = arith.constant 48 : index
        %get3A_299 = tpu.vector_load %arg6[%get3A_297, %get3A_298] {strides = array<i32>} : memref<4x128xf32, #tpu.memory_space<vmem>>, vector<1x16xf32>,
        %get3A_300 = vector.shape_cast %get3A_299 : vector<1x16xf32> to vector<16xf32>
        %swap3A_301 = arith.constant 304 : index
        %swap3A_302 = tpu.vector_load %arg7[%swap3A_301] {strides = array<i32>} : memref<512xf32, #tpu.memory_space<vmem>>, vector<16xf32>,
        %swap3A_303 = vector.shape_cast %swap3A_302 : vector<16xf32> to vector<16xf32>
        %swap3A_304 = vector.shape_cast %get3A_300 : vector<16xf32> to vector<16xf32>
        tpu.vector_store %arg7[%swap3A_301], %swap3A_304 {strides = array<i32>} : memref<512xf32, #tpu.memory_space<vmem>>, vector<16xf32>,
        %get3A_305 = arith.constant 2 : i32
        %get3A_306 = arith.index_cast %get3A_305 : i32 to index
        %get3A_307 = arith.constant 64 : index
        %get3A_308 = tpu.vector_load %arg6[%get3A_306, %get3A_307] {strides = array<i32>} : memref<4x128xf32, #tpu.memory_space<vmem>>, vector<1x16xf32>,
        %get3A_309 = vector.shape_cast %get3A_308 : vector<1x16xf32> to vector<16xf32>
        %swap3A_310 = arith.constant 320 : index
        %swap3A_311 = tpu.vector_load %arg7[%swap3A_310] {strides = array<i32>} : memref<512xf32, #tpu.memory_space<vmem>>, vector<16xf32>,
        %swap3A_312 = vector.shape_cast %swap3A_311 : vector<16xf32> to vector<16xf32>
        %swap3A_313 = vector.shape_cast %get3A_309 : vector<16xf32> to vector<16xf32>
        tpu.vector_store %arg7[%swap3A_310], %swap3A_313 {strides = array<i32>} : memref<512xf32, #tpu.memory_space<vmem>>, vector<16xf32>,
        %get3A_314 = arith.constant 2 : i32
        %get3A_315 = arith.index_cast %get3A_314 : i32 to index
        %get3A_316 = arith.constant 80 : index
        %get3A_317 = tpu.vector_load %arg6[%get3A_315, %get3A_316] {strides = array<i32>} : memref<4x128xf32, #tpu.memory_space<vmem>>, vector<1x16xf32>,
        %get3A_318 = vector.shape_cast %get3A_317 : vector<1x16xf32> to vector<16xf32>
        %swap3A_319 = arith.constant 336 : index
        %swap3A_320 = tpu.vector_load %arg7[%swap3A_319] {strides = array<i32>} : memref<512xf32, #tpu.memory_space<vmem>>, vector<16xf32>,
        %swap3A_321 = vector.shape_cast %swap3A_320 : vector<16xf32> to vector<16xf32>
        %swap3A_322 = vector.shape_cast %get3A_318 : vector<16xf32> to vector<16xf32>
        tpu.vector_store %arg7[%swap3A_319], %swap3A_322 {strides = array<i32>} : memref<512xf32, #tpu.memory_space<vmem>>, vector<16xf32>,
        %get3A_323 = arith.constant 2 : i32
        %get3A_324 = arith.index_cast %get3A_323 : i32 to index
        %get3A_325 = arith.constant 96 : index
        %get3A_326 = tpu.vector_load %arg6[%get3A_324, %get3A_325] {strides = array<i32>} : memref<4x128xf32, #tpu.memory_space<vmem>>, vector<1x16xf32>,
        %get3A_327 = vector.shape_cast %get3A_326 : vector<1x16xf32> to vector<16xf32>
        %swap3A_328 = arith.constant 352 : index
        %swap3A_329 = tpu.vector_load %arg7[%swap3A_328] {strides = array<i32>} : memref<512xf32, #tpu.memory_space<vmem>>, vector<16xf32>,
        %swap3A_330 = vector.shape_cast %swap3A_329 : vector<16xf32> to vector<16xf32>
        %swap3A_331 = vector.shape_cast %get3A_327 : vector<16xf32> to vector<16xf32>
        tpu.vector_store %arg7[%swap3A_328], %swap3A_331 {strides = array<i32>} : memref<512xf32, #tpu.memory_space<vmem>>, vector<16xf32>,
        %get3A_332 = arith.constant 2 : i32
        %get3A_333 = arith.index_cast %get3A_332 : i32 to index
        %get3A_334 = arith.constant 112 : index
        %get3A_335 = tpu.vector_load %arg6[%get3A_333, %get3A_334] {strides = array<i32>} : memref<4x128xf32, #tpu.memory_space<vmem>>, vector<1x16xf32>,
        %get3A_336 = vector.shape_cast %get3A_335 : vector<1x16xf32> to vector<16xf32>
        %swap3A_337 = arith.constant 368 : index
        %swap3A_338 = tpu.vector_load %arg7[%swap3A_337] {strides = array<i32>} : memref<512xf32, #tpu.memory_space<vmem>>, vector<16xf32>,
        %swap3A_339 = vector.shape_cast %swap3A_338 : vector<16xf32> to vector<16xf32>
        %swap3A_340 = vector.shape_cast %get3A_336 : vector<16xf32> to vector<16xf32>
        tpu.vector_store %arg7[%swap3A_337], %swap3A_340 {strides = array<i32>} : memref<512xf32, #tpu.memory_space<vmem>>, vector<16xf32>,
        %get3A_341 = arith.constant 3 : i32
        %get3A_342 = arith.index_cast %get3A_341 : i32 to index
        %get3A_343 = arith.constant 0 : index
        %get3A_344 = tpu.vector_load %arg6[%get3A_342, %get3A_343] {strides = array<i32>} : memref<4x128xf32, #tpu.memory_space<vmem>>, vector<1x16xf32>,
        %get3A_345 = vector.shape_cast %get3A_344 : vector<1x16xf32> to vector<16xf32>
        %swap3A_346 = arith.constant 384 : index
        %swap3A_347 = tpu.vector_load %arg7[%swap3A_346] {strides = array<i32>} : memref<512xf32, #tpu.memory_space<vmem>>, vector<16xf32>,
        %swap3A_348 = vector.shape_cast %swap3A_347 : vector<16xf32> to vector<16xf32>
        %swap3A_349 = vector.shape_cast %get3A_345 : vector<16xf32> to vector<16xf32>
        tpu.vector_store %arg7[%swap3A_346], %swap3A_349 {strides = array<i32>} : memref<512xf32, #tpu.memory_space<vmem>>, vector<16xf32>,
        %get3A_350 = arith.constant 3 : i32
        %get3A_351 = arith.index_cast %get3A_350 : i32 to index
        %get3A_352 = arith.constant 16 : index
        %get3A_353 = tpu.vector_load %arg6[%get3A_351, %get3A_352] {strides = array<i32>} : memref<4x128xf32, #tpu.memory_space<vmem>>, vector<1x16xf32>,
        %get3A_354 = vector.shape_cast %get3A_353 : vector<1x16xf32> to vector<16xf32>
        %swap3A_355 = arith.constant 400 : index
        %swap3A_356 = tpu.vector_load %arg7[%swap3A_355] {strides = array<i32>} : memref<512xf32, #tpu.memory_space<vmem>>, vector<16xf32>,
        %swap3A_357 = vector.shape_cast %swap3A_356 : vector<16xf32> to vector<16xf32>
        %swap3A_358 = vector.shape_cast %get3A_354 : vector<16xf32> to vector<16xf32>
        tpu.vector_store %arg7[%swap3A_355], %swap3A_358 {strides = array<i32>} : memref<512xf32, #tpu.memory_space<vmem>>, vector<16xf32>,
        %get3A_359 = arith.constant 3 : i32
        %get3A_360 = arith.index_cast %get3A_359 : i32 to index
        %get3A_361 = arith.constant 32 : index
        %get3A_362 = tpu.vector_load %arg6[%get3A_360, %get3A_361] {strides = array<i32>} : memref<4x128xf32, #tpu.memory_space<vmem>>, vector<1x16xf32>,
        %get3A_363 = vector.shape_cast %get3A_362 : vector<1x16xf32> to vector<16xf32>
        %swap3A_364 = arith.constant 416 : index
        %swap3A_365 = tpu.vector_load %arg7[%swap3A_364] {strides = array<i32>} : memref<512xf32, #tpu.memory_space<vmem>>, vector<16xf32>,
        %swap3A_366 = vector.shape_cast %swap3A_365 : vector<16xf32> to vector<16xf32>
        %swap3A_367 = vector.shape_cast %get3A_363 : vector<16xf32> to vector<16xf32>
        tpu.vector_store %arg7[%swap3A_364], %swap3A_367 {strides = array<i32>} : memref<512xf32, #tpu.memory_space<vmem>>, vector<16xf32>,
        %get3A_368 = arith.constant 3 : i32
        %get3A_369 = arith.index_cast %get3A_368 : i32 to index
        %get3A_370 = arith.constant 48 : index
        %get3A_371 = tpu.vector_load %arg6[%get3A_369, %get3A_370] {strides = array<i32>} : memref<4x128xf32, #tpu.memory_space<vmem>>, vector<1x16xf32>,
        %get3A_372 = vector.shape_cast %get3A_371 : vector<1x16xf32> to vector<16xf32>
        %swap3A_373 = arith.constant 432 : index
        %swap3A_374 = tpu.vector_load %arg7[%swap3A_373] {strides = array<i32>} : memref<512xf32, #tpu.memory_space<vmem>>, vector<16xf32>,
        %swap3A_375 = vector.shape_cast %swap3A_374 : vector<16xf32> to vector<16xf32>
        %swap3A_376 = vector.shape_cast %get3A_372 : vector<16xf32> to vector<16xf32>
        tpu.vector_store %arg7[%swap3A_373], %swap3A_376 {strides = array<i32>} : memref<512xf32, #tpu.memory_space<vmem>>, vector<16xf32>,
        %get3A_377 = arith.constant 3 : i32
        %get3A_378 = arith.index_cast %get3A_377 : i32 to index
        %get3A_379 = arith.constant 64 : index
        %get3A_380 = tpu.vector_load %arg6[%get3A_378, %get3A_379] {strides = array<i32>} : memref<4x128xf32, #tpu.memory_space<vmem>>, vector<1x16xf32>,
        %get3A_381 = vector.shape_cast %get3A_380 : vector<1x16xf32> to vector<16xf32>
        %swap3A_382 = arith.constant 448 : index
        %swap3A_383 = tpu.vector_load %arg7[%swap3A_382] {strides = array<i32>} : memref<512xf32, #tpu.memory_space<vmem>>, vector<16xf32>,
        %swap3A_384 = vector.shape_cast %swap3A_383 : vector<16xf32> to vector<16xf32>
        %swap3A_385 = vector.shape_cast %get3A_381 : vector<16xf32> to vector<16xf32>
        tpu.vector_store %arg7[%swap3A_382], %swap3A_385 {strides = array<i32>} : memref<512xf32, #tpu.memory_space<vmem>>, vector<16xf32>,
        %get3A_386 = arith.constant 3 : i32
        %get3A_387 = arith.index_cast %get3A_386 : i32 to index
        %get3A_388 = arith.constant 80 : index
        %get3A_389 = tpu.vector_load %arg6[%get3A_387, %get3A_388] {strides = array<i32>} : memref<4x128xf32, #tpu.memory_space<vmem>>, vector<1x16xf32>,
        %get3A_390 = vector.shape_cast %get3A_389 : vector<1x16xf32> to vector<16xf32>
        %swap3A_391 = arith.constant 464 : index
        %swap3A_392 = tpu.vector_load %arg7[%swap3A_391] {strides = array<i32>} : memref<512xf32, #tpu.memory_space<vmem>>, vector<16xf32>,
        %swap3A_393 = vector.shape_cast %swap3A_392 : vector<16xf32> to vector<16xf32>
        %swap3A_394 = vector.shape_cast %get3A_390 : vector<16xf32> to vector<16xf32>
        tpu.vector_store %arg7[%swap3A_391], %swap3A_394 {strides = array<i32>} : memref<512xf32, #tpu.memory_space<vmem>>, vector<16xf32>,
        %get3A_395 = arith.constant 3 : i32
        %get3A_396 = arith.index_cast %get3A_395 : i32 to index
        %get3A_397 = arith.constant 96 : index
        %get3A_398 = tpu.vector_load %arg6[%get3A_396, %get3A_397] {strides = array<i32>} : memref<4x128xf32, #tpu.memory_space<vmem>>, vector<1x16xf32>,
        %get3A_399 = vector.shape_cast %get3A_398 : vector<1x16xf32> to vector<16xf32>
        %swap3A_400 = arith.constant 480 : index
        %swap3A_401 = tpu.vector_load %arg7[%swap3A_400] {strides = array<i32>} : memref<512xf32, #tpu.memory_space<vmem>>, vector<16xf32>,
        %swap3A_402 = vector.shape_cast %swap3A_401 : vector<16xf32> to vector<16xf32>
        %swap3A_403 = vector.shape_cast %get3A_399 : vector<16xf32> to vector<16xf32>
        tpu.vector_store %arg7[%swap3A_400], %swap3A_403 {strides = array<i32>} : memref<512xf32, #tpu.memory_space<vmem>>, vector<16xf32>,
        %get3A_404 = arith.constant 3 : i32
        %get3A_405 = arith.index_cast %get3A_404 : i32 to index
        %get3A_406 = arith.constant 112 : index
        %get3A_407 = tpu.vector_load %arg6[%get3A_405, %get3A_406] {strides = array<i32>} : memref<4x128xf32, #tpu.memory_space<vmem>>, vector<1x16xf32>,
        %get3A_408 = vector.shape_cast %get3A_407 : vector<1x16xf32> to vector<16xf32>
        %swap3A_409 = arith.constant 496 : index
        %swap3A_410 = tpu.vector_load %arg7[%swap3A_409] {strides = array<i32>} : memref<512xf32, #tpu.memory_space<vmem>>, vector<16xf32>,
        %swap3A_411 = vector.shape_cast %swap3A_410 : vector<16xf32> to vector<16xf32>
        %swap3A_412 = vector.shape_cast %get3A_408 : vector<16xf32> to vector<16xf32>
        tpu.vector_store %arg7[%swap3A_409], %swap3A_412 {strides = array<i32>} : memref<512xf32, #tpu.memory_space<vmem>>, vector<16xf32>,
      } else {
      }
      %gt3A = arith.constant 0 : i32
      %gt3A_122 = arith.cmpi sgt, %scan3A_16, %gt3A : i32
      %convert_element_type3A_123 = arith.extui %gt3A_122 : i1 to i32
      %cond3A_124 = arith.constant 0 : i32
      %cond3A_125 = arith.cmpi ne, %convert_element_type3A_123, %cond3A_124 : i32
      scf.if %cond3A_125 {
        %get3A = arith.constant 0 : index
        %get3A_127 = tpu.vector_load %arg7[%get3A] {strides = array<i32>} : memref<512xf32, #tpu.memory_space<vmem>>, vector<16xf32>,
        %get3A_128 = vector.shape_cast %get3A_127 : vector<16xf32> to vector<16xf32>
        %get3A_129 = arith.constant 0 : i32
        %get3A_130 = arith.index_cast %get3A_129 : i32 to index
        %get3A_131 = arith.constant 0 : index
        %get3A_132 = tpu.vector_load %arg6[%get3A_130, %get3A_131] {strides = array<i32>} : memref<4x128xf32, #tpu.memory_space<vmem>>, vector<1x16xf32>,
        %get3A_133 = vector.shape_cast %get3A_132 : vector<1x16xf32> to vector<16xf32>
        %add3A_134 = arith.addf %get3A_128, %get3A_133 : vector<16xf32>
        %swap3A = arith.constant 0 : index
        %swap3A_135 = tpu.vector_load %arg7[%swap3A] {strides = array<i32>} : memref<512xf32, #tpu.memory_space<vmem>>, vector<16xf32>,
        %swap3A_136 = vector.shape_cast %swap3A_135 : vector<16xf32> to vector<16xf32>
        %swap3A_137 = vector.shape_cast %add3A_134 : vector<16xf32> to vector<16xf32>
        tpu.vector_store %arg7[%swap3A], %swap3A_137 {strides = array<i32>} : memref<512xf32, #tpu.memory_space<vmem>>, vector<16xf32>,
        %get3A_138 = arith.constant 16 : index
        %get3A_139 = tpu.vector_load %arg7[%get3A_138] {strides = array<i32>} : memref<512xf32, #tpu.memory_space<vmem>>, vector<16xf32>,
        %get3A_140 = vector.shape_cast %get3A_139 : vector<16xf32> to vector<16xf32>
        %get3A_141 = arith.constant 0 : i32
        %get3A_142 = arith.index_cast %get3A_141 : i32 to index
        %get3A_143 = arith.constant 16 : index
        %get3A_144 = tpu.vector_load %arg6[%get3A_142, %get3A_143] {strides = array<i32>} : memref<4x128xf32, #tpu.memory_space<vmem>>, vector<1x16xf32>,
        %get3A_145 = vector.shape_cast %get3A_144 : vector<1x16xf32> to vector<16xf32>
        %add3A_146 = arith.addf %get3A_140, %get3A_145 : vector<16xf32>
        %swap3A_147 = arith.constant 16 : index
        %swap3A_148 = tpu.vector_load %arg7[%swap3A_147] {strides = array<i32>} : memref<512xf32, #tpu.memory_space<vmem>>, vector<16xf32>,
        %swap3A_149 = vector.shape_cast %swap3A_148 : vector<16xf32> to vector<16xf32>
        %swap3A_150 = vector.shape_cast %add3A_146 : vector<16xf32> to vector<16xf32>
        tpu.vector_store %arg7[%swap3A_147], %swap3A_150 {strides = array<i32>} : memref<512xf32, #tpu.memory_space<vmem>>, vector<16xf32>,
        %get3A_151 = arith.constant 32 : index
        %get3A_152 = tpu.vector_load %arg7[%get3A_151] {strides = array<i32>} : memref<512xf32, #tpu.memory_space<vmem>>, vector<16xf32>,
        %get3A_153 = vector.shape_cast %get3A_152 : vector<16xf32> to vector<16xf32>
        %get3A_154 = arith.constant 0 : i32
        %get3A_155 = arith.index_cast %get3A_154 : i32 to index
        %get3A_156 = arith.constant 32 : index
        %get3A_157 = tpu.vector_load %arg6[%get3A_155, %get3A_156] {strides = array<i32>} : memref<4x128xf32, #tpu.memory_space<vmem>>, vector<1x16xf32>,
        %get3A_158 = vector.shape_cast %get3A_157 : vector<1x16xf32> to vector<16xf32>
        %add3A_159 = arith.addf %get3A_153, %get3A_158 : vector<16xf32>
        %swap3A_160 = arith.constant 32 : index
        %swap3A_161 = tpu.vector_load %arg7[%swap3A_160] {strides = array<i32>} : memref<512xf32, #tpu.memory_space<vmem>>, vector<16xf32>,
        %swap3A_162 = vector.shape_cast %swap3A_161 : vector<16xf32> to vector<16xf32>
        %swap3A_163 = vector.shape_cast %add3A_159 : vector<16xf32> to vector<16xf32>
        tpu.vector_store %arg7[%swap3A_160], %swap3A_163 {strides = array<i32>} : memref<512xf32, #tpu.memory_space<vmem>>, vector<16xf32>,
        %get3A_164 = arith.constant 48 : index
        %get3A_165 = tpu.vector_load %arg7[%get3A_164] {strides = array<i32>} : memref<512xf32, #tpu.memory_space<vmem>>, vector<16xf32>,
        %get3A_166 = vector.shape_cast %get3A_165 : vector<16xf32> to vector<16xf32>
        %get3A_167 = arith.constant 0 : i32
        %get3A_168 = arith.index_cast %get3A_167 : i32 to index
        %get3A_169 = arith.constant 48 : index
        %get3A_170 = tpu.vector_load %arg6[%get3A_168, %get3A_169] {strides = array<i32>} : memref<4x128xf32, #tpu.memory_space<vmem>>, vector<1x16xf32>,
        %get3A_171 = vector.shape_cast %get3A_170 : vector<1x16xf32> to vector<16xf32>
        %add3A_172 = arith.addf %get3A_166, %get3A_171 : vector<16xf32>
        %swap3A_173 = arith.constant 48 : index
        %swap3A_174 = tpu.vector_load %arg7[%swap3A_173] {strides = array<i32>} : memref<512xf32, #tpu.memory_space<vmem>>, vector<16xf32>,
        %swap3A_175 = vector.shape_cast %swap3A_174 : vector<16xf32> to vector<16xf32>
        %swap3A_176 = vector.shape_cast %add3A_172 : vector<16xf32> to vector<16xf32>
        tpu.vector_store %arg7[%swap3A_173], %swap3A_176 {strides = array<i32>} : memref<512xf32, #tpu.memory_space<vmem>>, vector<16xf32>,
        %get3A_177 = arith.constant 64 : index
        %get3A_178 = tpu.vector_load %arg7[%get3A_177] {strides = array<i32>} : memref<512xf32, #tpu.memory_space<vmem>>, vector<16xf32>,
        %get3A_179 = vector.shape_cast %get3A_178 : vector<16xf32> to vector<16xf32>
        %get3A_180 = arith.constant 0 : i32
        %get3A_181 = arith.index_cast %get3A_180 : i32 to index
        %get3A_182 = arith.constant 64 : index
        %get3A_183 = tpu.vector_load %arg6[%get3A_181, %get3A_182] {strides = array<i32>} : memref<4x128xf32, #tpu.memory_space<vmem>>, vector<1x16xf32>,
        %get3A_184 = vector.shape_cast %get3A_183 : vector<1x16xf32> to vector<16xf32>
        %add3A_185 = arith.addf %get3A_179, %get3A_184 : vector<16xf32>
        %swap3A_186 = arith.constant 64 : index
        %swap3A_187 = tpu.vector_load %arg7[%swap3A_186] {strides = array<i32>} : memref<512xf32, #tpu.memory_space<vmem>>, vector<16xf32>,
        %swap3A_188 = vector.shape_cast %swap3A_187 : vector<16xf32> to vector<16xf32>
        %swap3A_189 = vector.shape_cast %add3A_185 : vector<16xf32> to vector<16xf32>
        tpu.vector_store %arg7[%swap3A_186], %swap3A_189 {strides = array<i32>} : memref<512xf32, #tpu.memory_space<vmem>>, vector<16xf32>,
        %get3A_190 = arith.constant 80 : index
        %get3A_191 = tpu.vector_load %arg7[%get3A_190] {strides = array<i32>} : memref<512xf32, #tpu.memory_space<vmem>>, vector<16xf32>,
        %get3A_192 = vector.shape_cast %get3A_191 : vector<16xf32> to vector<16xf32>
        %get3A_193 = arith.constant 0 : i32
        %get3A_194 = arith.index_cast %get3A_193 : i32 to index
        %get3A_195 = arith.constant 80 : index
        %get3A_196 = tpu.vector_load %arg6[%get3A_194, %get3A_195] {strides = array<i32>} : memref<4x128xf32, #tpu.memory_space<vmem>>, vector<1x16xf32>,
        %get3A_197 = vector.shape_cast %get3A_196 : vector<1x16xf32> to vector<16xf32>
        %add3A_198 = arith.addf %get3A_192, %get3A_197 : vector<16xf32>
        %swap3A_199 = arith.constant 80 : index
        %swap3A_200 = tpu.vector_load %arg7[%swap3A_199] {strides = array<i32>} : memref<512xf32, #tpu.memory_space<vmem>>, vector<16xf32>,
        %swap3A_201 = vector.shape_cast %swap3A_200 : vector<16xf32> to vector<16xf32>
        %swap3A_202 = vector.shape_cast %add3A_198 : vector<16xf32> to vector<16xf32>
        tpu.vector_store %arg7[%swap3A_199], %swap3A_202 {strides = array<i32>} : memref<512xf32, #tpu.memory_space<vmem>>, vector<16xf32>,
        %get3A_203 = arith.constant 96 : index
        %get3A_204 = tpu.vector_load %arg7[%get3A_203] {strides = array<i32>} : memref<512xf32, #tpu.memory_space<vmem>>, vector<16xf32>,
        %get3A_205 = vector.shape_cast %get3A_204 : vector<16xf32> to vector<16xf32>
        %get3A_206 = arith.constant 0 : i32
        %get3A_207 = arith.index_cast %get3A_206 : i32 to index
        %get3A_208 = arith.constant 96 : index
        %get3A_209 = tpu.vector_load %arg6[%get3A_207, %get3A_208] {strides = array<i32>} : memref<4x128xf32, #tpu.memory_space<vmem>>, vector<1x16xf32>,
        %get3A_210 = vector.shape_cast %get3A_209 : vector<1x16xf32> to vector<16xf32>
        %add3A_211 = arith.addf %get3A_205, %get3A_210 : vector<16xf32>
        %swap3A_212 = arith.constant 96 : index
        %swap3A_213 = tpu.vector_load %arg7[%swap3A_212] {strides = array<i32>} : memref<512xf32, #tpu.memory_space<vmem>>, vector<16xf32>,
        %swap3A_214 = vector.shape_cast %swap3A_213 : vector<16xf32> to vector<16xf32>
        %swap3A_215 = vector.shape_cast %add3A_211 : vector<16xf32> to vector<16xf32>
        tpu.vector_store %arg7[%swap3A_212], %swap3A_215 {strides = array<i32>} : memref<512xf32, #tpu.memory_space<vmem>>, vector<16xf32>,
        %get3A_216 = arith.constant 112 : index
        %get3A_217 = tpu.vector_load %arg7[%get3A_216] {strides = array<i32>} : memref<512xf32, #tpu.memory_space<vmem>>, vector<16xf32>,
        %get3A_218 = vector.shape_cast %get3A_217 : vector<16xf32> to vector<16xf32>
        %get3A_219 = arith.constant 0 : i32
        %get3A_220 = arith.index_cast %get3A_219 : i32 to index
        %get3A_221 = arith.constant 112 : index
        %get3A_222 = tpu.vector_load %arg6[%get3A_220, %get3A_221] {strides = array<i32>} : memref<4x128xf32, #tpu.memory_space<vmem>>, vector<1x16xf32>,
        %get3A_223 = vector.shape_cast %get3A_222 : vector<1x16xf32> to vector<16xf32>
        %add3A_224 = arith.addf %get3A_218, %get3A_223 : vector<16xf32>
        %swap3A_225 = arith.constant 112 : index
        %swap3A_226 = tpu.vector_load %arg7[%swap3A_225] {strides = array<i32>} : memref<512xf32, #tpu.memory_space<vmem>>, vector<16xf32>,
        %swap3A_227 = vector.shape_cast %swap3A_226 : vector<16xf32> to vector<16xf32>
        %swap3A_228 = vector.shape_cast %add3A_224 : vector<16xf32> to vector<16xf32>
        tpu.vector_store %arg7[%swap3A_225], %swap3A_228 {strides = array<i32>} : memref<512xf32, #tpu.memory_space<vmem>>, vector<16xf32>,
        %get3A_229 = arith.constant 128 : index
        %get3A_230 = tpu.vector_load %arg7[%get3A_229] {strides = array<i32>} : memref<512xf32, #tpu.memory_space<vmem>>, vector<16xf32>,
        %get3A_231 = vector.shape_cast %get3A_230 : vector<16xf32> to vector<16xf32>
        %get3A_232 = arith.constant 1 : i32
        %get3A_233 = arith.index_cast %get3A_232 : i32 to index
        %get3A_234 = arith.constant 0 : index
        %get3A_235 = tpu.vector_load %arg6[%get3A_233, %get3A_234] {strides = array<i32>} : memref<4x128xf32, #tpu.memory_space<vmem>>, vector<1x16xf32>,
        %get3A_236 = vector.shape_cast %get3A_235 : vector<1x16xf32> to vector<16xf32>
        %add3A_237 = arith.addf %get3A_231, %get3A_236 : vector<16xf32>
        %swap3A_238 = arith.constant 128 : index
        %swap3A_239 = tpu.vector_load %arg7[%swap3A_238] {strides = array<i32>} : memref<512xf32, #tpu.memory_space<vmem>>, vector<16xf32>,
        %swap3A_240 = vector.shape_cast %swap3A_239 : vector<16xf32> to vector<16xf32>
        %swap3A_241 = vector.shape_cast %add3A_237 : vector<16xf32> to vector<16xf32>
        tpu.vector_store %arg7[%swap3A_238], %swap3A_241 {strides = array<i32>} : memref<512xf32, #tpu.memory_space<vmem>>, vector<16xf32>,
        %get3A_242 = arith.constant 144 : index
        %get3A_243 = tpu.vector_load %arg7[%get3A_242] {strides = array<i32>} : memref<512xf32, #tpu.memory_space<vmem>>, vector<16xf32>,
        %get3A_244 = vector.shape_cast %get3A_243 : vector<16xf32> to vector<16xf32>
        %get3A_245 = arith.constant 1 : i32
        %get3A_246 = arith.index_cast %get3A_245 : i32 to index
        %get3A_247 = arith.constant 16 : index
        %get3A_248 = tpu.vector_load %arg6[%get3A_246, %get3A_247] {strides = array<i32>} : memref<4x128xf32, #tpu.memory_space<vmem>>, vector<1x16xf32>,
        %get3A_249 = vector.shape_cast %get3A_248 : vector<1x16xf32> to vector<16xf32>
        %add3A_250 = arith.addf %get3A_244, %get3A_249 : vector<16xf32>
        %swap3A_251 = arith.constant 144 : index
        %swap3A_252 = tpu.vector_load %arg7[%swap3A_251] {strides = array<i32>} : memref<512xf32, #tpu.memory_space<vmem>>, vector<16xf32>,
        %swap3A_253 = vector.shape_cast %swap3A_252 : vector<16xf32> to vector<16xf32>
        %swap3A_254 = vector.shape_cast %add3A_250 : vector<16xf32> to vector<16xf32>
        tpu.vector_store %arg7[%swap3A_251], %swap3A_254 {strides = array<i32>} : memref<512xf32, #tpu.memory_space<vmem>>, vector<16xf32>,
        %get3A_255 = arith.constant 160 : index
        %get3A_256 = tpu.vector_load %arg7[%get3A_255] {strides = array<i32>} : memref<512xf32, #tpu.memory_space<vmem>>, vector<16xf32>,
        %get3A_257 = vector.shape_cast %get3A_256 : vector<16xf32> to vector<16xf32>
        %get3A_258 = arith.constant 1 : i32
        %get3A_259 = arith.index_cast %get3A_258 : i32 to index
        %get3A_260 = arith.constant 32 : index
        %get3A_261 = tpu.vector_load %arg6[%get3A_259, %get3A_260] {strides = array<i32>} : memref<4x128xf32, #tpu.memory_space<vmem>>, vector<1x16xf32>,
        %get3A_262 = vector.shape_cast %get3A_261 : vector<1x16xf32> to vector<16xf32>
        %add3A_263 = arith.addf %get3A_257, %get3A_262 : vector<16xf32>
        %swap3A_264 = arith.constant 160 : index
        %swap3A_265 = tpu.vector_load %arg7[%swap3A_264] {strides = array<i32>} : memref<512xf32, #tpu.memory_space<vmem>>, vector<16xf32>,
        %swap3A_266 = vector.shape_cast %swap3A_265 : vector<16xf32> to vector<16xf32>
        %swap3A_267 = vector.shape_cast %add3A_263 : vector<16xf32> to vector<16xf32>
        tpu.vector_store %arg7[%swap3A_264], %swap3A_267 {strides = array<i32>} : memref<512xf32, #tpu.memory_space<vmem>>, vector<16xf32>,
        %get3A_268 = arith.constant 176 : index
        %get3A_269 = tpu.vector_load %arg7[%get3A_268] {strides = array<i32>} : memref<512xf32, #tpu.memory_space<vmem>>, vector<16xf32>,
        %get3A_270 = vector.shape_cast %get3A_269 : vector<16xf32> to vector<16xf32>
        %get3A_271 = arith.constant 1 : i32
        %get3A_272 = arith.index_cast %get3A_271 : i32 to index
        %get3A_273 = arith.constant 48 : index
        %get3A_274 = tpu.vector_load %arg6[%get3A_272, %get3A_273] {strides = array<i32>} : memref<4x128xf32, #tpu.memory_space<vmem>>, vector<1x16xf32>,
        %get3A_275 = vector.shape_cast %get3A_274 : vector<1x16xf32> to vector<16xf32>
        %add3A_276 = arith.addf %get3A_270, %get3A_275 : vector<16xf32>
        %swap3A_277 = arith.constant 176 : index
        %swap3A_278 = tpu.vector_load %arg7[%swap3A_277] {strides = array<i32>} : memref<512xf32, #tpu.memory_space<vmem>>, vector<16xf32>,
        %swap3A_279 = vector.shape_cast %swap3A_278 : vector<16xf32> to vector<16xf32>
        %swap3A_280 = vector.shape_cast %add3A_276 : vector<16xf32> to vector<16xf32>
        tpu.vector_store %arg7[%swap3A_277], %swap3A_280 {strides = array<i32>} : memref<512xf32, #tpu.memory_space<vmem>>, vector<16xf32>,
        %get3A_281 = arith.constant 192 : index
        %get3A_282 = tpu.vector_load %arg7[%get3A_281] {strides = array<i32>} : memref<512xf32, #tpu.memory_space<vmem>>, vector<16xf32>,
        %get3A_283 = vector.shape_cast %get3A_282 : vector<16xf32> to vector<16xf32>
        %get3A_284 = arith.constant 1 : i32
        %get3A_285 = arith.index_cast %get3A_284 : i32 to index
        %get3A_286 = arith.constant 64 : index
        %get3A_287 = tpu.vector_load %arg6[%get3A_285, %get3A_286] {strides = array<i32>} : memref<4x128xf32, #tpu.memory_space<vmem>>, vector<1x16xf32>,
        %get3A_288 = vector.shape_cast %get3A_287 : vector<1x16xf32> to vector<16xf32>
        %add3A_289 = arith.addf %get3A_283, %get3A_288 : vector<16xf32>
        %swap3A_290 = arith.constant 192 : index
        %swap3A_291 = tpu.vector_load %arg7[%swap3A_290] {strides = array<i32>} : memref<512xf32, #tpu.memory_space<vmem>>, vector<16xf32>,
        %swap3A_292 = vector.shape_cast %swap3A_291 : vector<16xf32> to vector<16xf32>
        %swap3A_293 = vector.shape_cast %add3A_289 : vector<16xf32> to vector<16xf32>
        tpu.vector_store %arg7[%swap3A_290], %swap3A_293 {strides = array<i32>} : memref<512xf32, #tpu.memory_space<vmem>>, vector<16xf32>,
        %get3A_294 = arith.constant 208 : index
        %get3A_295 = tpu.vector_load %arg7[%get3A_294] {strides = array<i32>} : memref<512xf32, #tpu.memory_space<vmem>>, vector<16xf32>,
        %get3A_296 = vector.shape_cast %get3A_295 : vector<16xf32> to vector<16xf32>
        %get3A_297 = arith.constant 1 : i32
        %get3A_298 = arith.index_cast %get3A_297 : i32 to index
        %get3A_299 = arith.constant 80 : index
        %get3A_300 = tpu.vector_load %arg6[%get3A_298, %get3A_299] {strides = array<i32>} : memref<4x128xf32, #tpu.memory_space<vmem>>, vector<1x16xf32>,
        %get3A_301 = vector.shape_cast %get3A_300 : vector<1x16xf32> to vector<16xf32>
        %add3A_302 = arith.addf %get3A_296, %get3A_301 : vector<16xf32>
        %swap3A_303 = arith.constant 208 : index
        %swap3A_304 = tpu.vector_load %arg7[%swap3A_303] {strides = array<i32>} : memref<512xf32, #tpu.memory_space<vmem>>, vector<16xf32>,
        %swap3A_305 = vector.shape_cast %swap3A_304 : vector<16xf32> to vector<16xf32>
        %swap3A_306 = vector.shape_cast %add3A_302 : vector<16xf32> to vector<16xf32>
        tpu.vector_store %arg7[%swap3A_303], %swap3A_306 {strides = array<i32>} : memref<512xf32, #tpu.memory_space<vmem>>, vector<16xf32>,
        %get3A_307 = arith.constant 224 : index
        %get3A_308 = tpu.vector_load %arg7[%get3A_307] {strides = array<i32>} : memref<512xf32, #tpu.memory_space<vmem>>, vector<16xf32>,
        %get3A_309 = vector.shape_cast %get3A_308 : vector<16xf32> to vector<16xf32>
        %get3A_310 = arith.constant 1 : i32
        %get3A_311 = arith.index_cast %get3A_310 : i32 to index
        %get3A_312 = arith.constant 96 : index
        %get3A_313 = tpu.vector_load %arg6[%get3A_311, %get3A_312] {strides = array<i32>} : memref<4x128xf32, #tpu.memory_space<vmem>>, vector<1x16xf32>,
        %get3A_314 = vector.shape_cast %get3A_313 : vector<1x16xf32> to vector<16xf32>
        %add3A_315 = arith.addf %get3A_309, %get3A_314 : vector<16xf32>
        %swap3A_316 = arith.constant 224 : index
        %swap3A_317 = tpu.vector_load %arg7[%swap3A_316] {strides = array<i32>} : memref<512xf32, #tpu.memory_space<vmem>>, vector<16xf32>,
        %swap3A_318 = vector.shape_cast %swap3A_317 : vector<16xf32> to vector<16xf32>
        %swap3A_319 = vector.shape_cast %add3A_315 : vector<16xf32> to vector<16xf32>
        tpu.vector_store %arg7[%swap3A_316], %swap3A_319 {strides = array<i32>} : memref<512xf32, #tpu.memory_space<vmem>>, vector<16xf32>,
        %get3A_320 = arith.constant 240 : index
        %get3A_321 = tpu.vector_load %arg7[%get3A_320] {strides = array<i32>} : memref<512xf32, #tpu.memory_space<vmem>>, vector<16xf32>,
        %get3A_322 = vector.shape_cast %get3A_321 : vector<16xf32> to vector<16xf32>
        %get3A_323 = arith.constant 1 : i32
        %get3A_324 = arith.index_cast %get3A_323 : i32 to index
        %get3A_325 = arith.constant 112 : index
        %get3A_326 = tpu.vector_load %arg6[%get3A_324, %get3A_325] {strides = array<i32>} : memref<4x128xf32, #tpu.memory_space<vmem>>, vector<1x16xf32>,
        %get3A_327 = vector.shape_cast %get3A_326 : vector<1x16xf32> to vector<16xf32>
        %add3A_328 = arith.addf %get3A_322, %get3A_327 : vector<16xf32>
        %swap3A_329 = arith.constant 240 : index
        %swap3A_330 = tpu.vector_load %arg7[%swap3A_329] {strides = array<i32>} : memref<512xf32, #tpu.memory_space<vmem>>, vector<16xf32>,
        %swap3A_331 = vector.shape_cast %swap3A_330 : vector<16xf32> to vector<16xf32>
        %swap3A_332 = vector.shape_cast %add3A_328 : vector<16xf32> to vector<16xf32>
        tpu.vector_store %arg7[%swap3A_329], %swap3A_332 {strides = array<i32>} : memref<512xf32, #tpu.memory_space<vmem>>, vector<16xf32>,
        %get3A_333 = arith.constant 256 : index
        %get3A_334 = tpu.vector_load %arg7[%get3A_333] {strides = array<i32>} : memref<512xf32, #tpu.memory_space<vmem>>, vector<16xf32>,
        %get3A_335 = vector.shape_cast %get3A_334 : vector<16xf32> to vector<16xf32>
        %get3A_336 = arith.constant 2 : i32
        %get3A_337 = arith.index_cast %get3A_336 : i32 to index
        %get3A_338 = arith.constant 0 : index
        %get3A_339 = tpu.vector_load %arg6[%get3A_337, %get3A_338] {strides = array<i32>} : memref<4x128xf32, #tpu.memory_space<vmem>>, vector<1x16xf32>,
        %get3A_340 = vector.shape_cast %get3A_339 : vector<1x16xf32> to vector<16xf32>
        %add3A_341 = arith.addf %get3A_335, %get3A_340 : vector<16xf32>
        %swap3A_342 = arith.constant 256 : index
        %swap3A_343 = tpu.vector_load %arg7[%swap3A_342] {strides = array<i32>} : memref<512xf32, #tpu.memory_space<vmem>>, vector<16xf32>,
        %swap3A_344 = vector.shape_cast %swap3A_343 : vector<16xf32> to vector<16xf32>
        %swap3A_345 = vector.shape_cast %add3A_341 : vector<16xf32> to vector<16xf32>
        tpu.vector_store %arg7[%swap3A_342], %swap3A_345 {strides = array<i32>} : memref<512xf32, #tpu.memory_space<vmem>>, vector<16xf32>,
        %get3A_346 = arith.constant 272 : index
        %get3A_347 = tpu.vector_load %arg7[%get3A_346] {strides = array<i32>} : memref<512xf32, #tpu.memory_space<vmem>>, vector<16xf32>,
        %get3A_348 = vector.shape_cast %get3A_347 : vector<16xf32> to vector<16xf32>
        %get3A_349 = arith.constant 2 : i32
        %get3A_350 = arith.index_cast %get3A_349 : i32 to index
        %get3A_351 = arith.constant 16 : index
        %get3A_352 = tpu.vector_load %arg6[%get3A_350, %get3A_351] {strides = array<i32>} : memref<4x128xf32, #tpu.memory_space<vmem>>, vector<1x16xf32>,
        %get3A_353 = vector.shape_cast %get3A_352 : vector<1x16xf32> to vector<16xf32>
        %add3A_354 = arith.addf %get3A_348, %get3A_353 : vector<16xf32>
        %swap3A_355 = arith.constant 272 : index
        %swap3A_356 = tpu.vector_load %arg7[%swap3A_355] {strides = array<i32>} : memref<512xf32, #tpu.memory_space<vmem>>, vector<16xf32>,
        %swap3A_357 = vector.shape_cast %swap3A_356 : vector<16xf32> to vector<16xf32>
        %swap3A_358 = vector.shape_cast %add3A_354 : vector<16xf32> to vector<16xf32>
        tpu.vector_store %arg7[%swap3A_355], %swap3A_358 {strides = array<i32>} : memref<512xf32, #tpu.memory_space<vmem>>, vector<16xf32>,
        %get3A_359 = arith.constant 288 : index
        %get3A_360 = tpu.vector_load %arg7[%get3A_359] {strides = array<i32>} : memref<512xf32, #tpu.memory_space<vmem>>, vector<16xf32>,
        %get3A_361 = vector.shape_cast %get3A_360 : vector<16xf32> to vector<16xf32>
        %get3A_362 = arith.constant 2 : i32
        %get3A_363 = arith.index_cast %get3A_362 : i32 to index
        %get3A_364 = arith.constant 32 : index
        %get3A_365 = tpu.vector_load %arg6[%get3A_363, %get3A_364] {strides = array<i32>} : memref<4x128xf32, #tpu.memory_space<vmem>>, vector<1x16xf32>,
        %get3A_366 = vector.shape_cast %get3A_365 : vector<1x16xf32> to vector<16xf32>
        %add3A_367 = arith.addf %get3A_361, %get3A_366 : vector<16xf32>
        %swap3A_368 = arith.constant 288 : index
        %swap3A_369 = tpu.vector_load %arg7[%swap3A_368] {strides = array<i32>} : memref<512xf32, #tpu.memory_space<vmem>>, vector<16xf32>,
        %swap3A_370 = vector.shape_cast %swap3A_369 : vector<16xf32> to vector<16xf32>
        %swap3A_371 = vector.shape_cast %add3A_367 : vector<16xf32> to vector<16xf32>
        tpu.vector_store %arg7[%swap3A_368], %swap3A_371 {strides = array<i32>} : memref<512xf32, #tpu.memory_space<vmem>>, vector<16xf32>,
        %get3A_372 = arith.constant 304 : index
        %get3A_373 = tpu.vector_load %arg7[%get3A_372] {strides = array<i32>} : memref<512xf32, #tpu.memory_space<vmem>>, vector<16xf32>,
        %get3A_374 = vector.shape_cast %get3A_373 : vector<16xf32> to vector<16xf32>
        %get3A_375 = arith.constant 2 : i32
        %get3A_376 = arith.index_cast %get3A_375 : i32 to index
        %get3A_377 = arith.constant 48 : index
        %get3A_378 = tpu.vector_load %arg6[%get3A_376, %get3A_377] {strides = array<i32>} : memref<4x128xf32, #tpu.memory_space<vmem>>, vector<1x16xf32>,
        %get3A_379 = vector.shape_cast %get3A_378 : vector<1x16xf32> to vector<16xf32>
        %add3A_380 = arith.addf %get3A_374, %get3A_379 : vector<16xf32>
        %swap3A_381 = arith.constant 304 : index
        %swap3A_382 = tpu.vector_load %arg7[%swap3A_381] {strides = array<i32>} : memref<512xf32, #tpu.memory_space<vmem>>, vector<16xf32>,
        %swap3A_383 = vector.shape_cast %swap3A_382 : vector<16xf32> to vector<16xf32>
        %swap3A_384 = vector.shape_cast %add3A_380 : vector<16xf32> to vector<16xf32>
        tpu.vector_store %arg7[%swap3A_381], %swap3A_384 {strides = array<i32>} : memref<512xf32, #tpu.memory_space<vmem>>, vector<16xf32>,
        %get3A_385 = arith.constant 320 : index
        %get3A_386 = tpu.vector_load %arg7[%get3A_385] {strides = array<i32>} : memref<512xf32, #tpu.memory_space<vmem>>, vector<16xf32>,
        %get3A_387 = vector.shape_cast %get3A_386 : vector<16xf32> to vector<16xf32>
        %get3A_388 = arith.constant 2 : i32
        %get3A_389 = arith.index_cast %get3A_388 : i32 to index
        %get3A_390 = arith.constant 64 : index
        %get3A_391 = tpu.vector_load %arg6[%get3A_389, %get3A_390] {strides = array<i32>} : memref<4x128xf32, #tpu.memory_space<vmem>>, vector<1x16xf32>,
        %get3A_392 = vector.shape_cast %get3A_391 : vector<1x16xf32> to vector<16xf32>
        %add3A_393 = arith.addf %get3A_387, %get3A_392 : vector<16xf32>
        %swap3A_394 = arith.constant 320 : index
        %swap3A_395 = tpu.vector_load %arg7[%swap3A_394] {strides = array<i32>} : memref<512xf32, #tpu.memory_space<vmem>>, vector<16xf32>,
        %swap3A_396 = vector.shape_cast %swap3A_395 : vector<16xf32> to vector<16xf32>
        %swap3A_397 = vector.shape_cast %add3A_393 : vector<16xf32> to vector<16xf32>
        tpu.vector_store %arg7[%swap3A_394], %swap3A_397 {strides = array<i32>} : memref<512xf32, #tpu.memory_space<vmem>>, vector<16xf32>,
        %get3A_398 = arith.constant 336 : index
        %get3A_399 = tpu.vector_load %arg7[%get3A_398] {strides = array<i32>} : memref<512xf32, #tpu.memory_space<vmem>>, vector<16xf32>,
        %get3A_400 = vector.shape_cast %get3A_399 : vector<16xf32> to vector<16xf32>
        %get3A_401 = arith.constant 2 : i32
        %get3A_402 = arith.index_cast %get3A_401 : i32 to index
        %get3A_403 = arith.constant 80 : index
        %get3A_404 = tpu.vector_load %arg6[%get3A_402, %get3A_403] {strides = array<i32>} : memref<4x128xf32, #tpu.memory_space<vmem>>, vector<1x16xf32>,
        %get3A_405 = vector.shape_cast %get3A_404 : vector<1x16xf32> to vector<16xf32>
        %add3A_406 = arith.addf %get3A_400, %get3A_405 : vector<16xf32>
        %swap3A_407 = arith.constant 336 : index
        %swap3A_408 = tpu.vector_load %arg7[%swap3A_407] {strides = array<i32>} : memref<512xf32, #tpu.memory_space<vmem>>, vector<16xf32>,
        %swap3A_409 = vector.shape_cast %swap3A_408 : vector<16xf32> to vector<16xf32>
        %swap3A_410 = vector.shape_cast %add3A_406 : vector<16xf32> to vector<16xf32>
        tpu.vector_store %arg7[%swap3A_407], %swap3A_410 {strides = array<i32>} : memref<512xf32, #tpu.memory_space<vmem>>, vector<16xf32>,
        %get3A_411 = arith.constant 352 : index
        %get3A_412 = tpu.vector_load %arg7[%get3A_411] {strides = array<i32>} : memref<512xf32, #tpu.memory_space<vmem>>, vector<16xf32>,
        %get3A_413 = vector.shape_cast %get3A_412 : vector<16xf32> to vector<16xf32>
        %get3A_414 = arith.constant 2 : i32
        %get3A_415 = arith.index_cast %get3A_414 : i32 to index
        %get3A_416 = arith.constant 96 : index
        %get3A_417 = tpu.vector_load %arg6[%get3A_415, %get3A_416] {strides = array<i32>} : memref<4x128xf32, #tpu.memory_space<vmem>>, vector<1x16xf32>,
        %get3A_418 = vector.shape_cast %get3A_417 : vector<1x16xf32> to vector<16xf32>
        %add3A_419 = arith.addf %get3A_413, %get3A_418 : vector<16xf32>
        %swap3A_420 = arith.constant 352 : index
        %swap3A_421 = tpu.vector_load %arg7[%swap3A_420] {strides = array<i32>} : memref<512xf32, #tpu.memory_space<vmem>>, vector<16xf32>,
        %swap3A_422 = vector.shape_cast %swap3A_421 : vector<16xf32> to vector<16xf32>
        %swap3A_423 = vector.shape_cast %add3A_419 : vector<16xf32> to vector<16xf32>
        tpu.vector_store %arg7[%swap3A_420], %swap3A_423 {strides = array<i32>} : memref<512xf32, #tpu.memory_space<vmem>>, vector<16xf32>,
        %get3A_424 = arith.constant 368 : index
        %get3A_425 = tpu.vector_load %arg7[%get3A_424] {strides = array<i32>} : memref<512xf32, #tpu.memory_space<vmem>>, vector<16xf32>,
        %get3A_426 = vector.shape_cast %get3A_425 : vector<16xf32> to vector<16xf32>
        %get3A_427 = arith.constant 2 : i32
        %get3A_428 = arith.index_cast %get3A_427 : i32 to index
        %get3A_429 = arith.constant 112 : index
        %get3A_430 = tpu.vector_load %arg6[%get3A_428, %get3A_429] {strides = array<i32>} : memref<4x128xf32, #tpu.memory_space<vmem>>, vector<1x16xf32>,
        %get3A_431 = vector.shape_cast %get3A_430 : vector<1x16xf32> to vector<16xf32>
        %add3A_432 = arith.addf %get3A_426, %get3A_431 : vector<16xf32>
        %swap3A_433 = arith.constant 368 : index
        %swap3A_434 = tpu.vector_load %arg7[%swap3A_433] {strides = array<i32>} : memref<512xf32, #tpu.memory_space<vmem>>, vector<16xf32>,
        %swap3A_435 = vector.shape_cast %swap3A_434 : vector<16xf32> to vector<16xf32>
        %swap3A_436 = vector.shape_cast %add3A_432 : vector<16xf32> to vector<16xf32>
        tpu.vector_store %arg7[%swap3A_433], %swap3A_436 {strides = array<i32>} : memref<512xf32, #tpu.memory_space<vmem>>, vector<16xf32>,
        %get3A_437 = arith.constant 384 : index
        %get3A_438 = tpu.vector_load %arg7[%get3A_437] {strides = array<i32>} : memref<512xf32, #tpu.memory_space<vmem>>, vector<16xf32>,
        %get3A_439 = vector.shape_cast %get3A_438 : vector<16xf32> to vector<16xf32>
        %get3A_440 = arith.constant 3 : i32
        %get3A_441 = arith.index_cast %get3A_440 : i32 to index
        %get3A_442 = arith.constant 0 : index
        %get3A_443 = tpu.vector_load %arg6[%get3A_441, %get3A_442] {strides = array<i32>} : memref<4x128xf32, #tpu.memory_space<vmem>>, vector<1x16xf32>,
        %get3A_444 = vector.shape_cast %get3A_443 : vector<1x16xf32> to vector<16xf32>
        %add3A_445 = arith.addf %get3A_439, %get3A_444 : vector<16xf32>
        %swap3A_446 = arith.constant 384 : index
        %swap3A_447 = tpu.vector_load %arg7[%swap3A_446] {strides = array<i32>} : memref<512xf32, #tpu.memory_space<vmem>>, vector<16xf32>,
        %swap3A_448 = vector.shape_cast %swap3A_447 : vector<16xf32> to vector<16xf32>
        %swap3A_449 = vector.shape_cast %add3A_445 : vector<16xf32> to vector<16xf32>
        tpu.vector_store %arg7[%swap3A_446], %swap3A_449 {strides = array<i32>} : memref<512xf32, #tpu.memory_space<vmem>>, vector<16xf32>,
        %get3A_450 = arith.constant 400 : index
        %get3A_451 = tpu.vector_load %arg7[%get3A_450] {strides = array<i32>} : memref<512xf32, #tpu.memory_space<vmem>>, vector<16xf32>,
        %get3A_452 = vector.shape_cast %get3A_451 : vector<16xf32> to vector<16xf32>
        %get3A_453 = arith.constant 3 : i32
        %get3A_454 = arith.index_cast %get3A_453 : i32 to index
        %get3A_455 = arith.constant 16 : index
        %get3A_456 = tpu.vector_load %arg6[%get3A_454, %get3A_455] {strides = array<i32>} : memref<4x128xf32, #tpu.memory_space<vmem>>, vector<1x16xf32>,
        %get3A_457 = vector.shape_cast %get3A_456 : vector<1x16xf32> to vector<16xf32>
        %add3A_458 = arith.addf %get3A_452, %get3A_457 : vector<16xf32>
        %swap3A_459 = arith.constant 400 : index
        %swap3A_460 = tpu.vector_load %arg7[%swap3A_459] {strides = array<i32>} : memref<512xf32, #tpu.memory_space<vmem>>, vector<16xf32>,
        %swap3A_461 = vector.shape_cast %swap3A_460 : vector<16xf32> to vector<16xf32>
        %swap3A_462 = vector.shape_cast %add3A_458 : vector<16xf32> to vector<16xf32>
        tpu.vector_store %arg7[%swap3A_459], %swap3A_462 {strides = array<i32>} : memref<512xf32, #tpu.memory_space<vmem>>, vector<16xf32>,
        %get3A_463 = arith.constant 416 : index
        %get3A_464 = tpu.vector_load %arg7[%get3A_463] {strides = array<i32>} : memref<512xf32, #tpu.memory_space<vmem>>, vector<16xf32>,
        %get3A_465 = vector.shape_cast %get3A_464 : vector<16xf32> to vector<16xf32>
        %get3A_466 = arith.constant 3 : i32
        %get3A_467 = arith.index_cast %get3A_466 : i32 to index
        %get3A_468 = arith.constant 32 : index
        %get3A_469 = tpu.vector_load %arg6[%get3A_467, %get3A_468] {strides = array<i32>} : memref<4x128xf32, #tpu.memory_space<vmem>>, vector<1x16xf32>,
        %get3A_470 = vector.shape_cast %get3A_469 : vector<1x16xf32> to vector<16xf32>
        %add3A_471 = arith.addf %get3A_465, %get3A_470 : vector<16xf32>
        %swap3A_472 = arith.constant 416 : index
        %swap3A_473 = tpu.vector_load %arg7[%swap3A_472] {strides = array<i32>} : memref<512xf32, #tpu.memory_space<vmem>>, vector<16xf32>,
        %swap3A_474 = vector.shape_cast %swap3A_473 : vector<16xf32> to vector<16xf32>
        %swap3A_475 = vector.shape_cast %add3A_471 : vector<16xf32> to vector<16xf32>
        tpu.vector_store %arg7[%swap3A_472], %swap3A_475 {strides = array<i32>} : memref<512xf32, #tpu.memory_space<vmem>>, vector<16xf32>,
        %get3A_476 = arith.constant 432 : index
        %get3A_477 = tpu.vector_load %arg7[%get3A_476] {strides = array<i32>} : memref<512xf32, #tpu.memory_space<vmem>>, vector<16xf32>,
        %get3A_478 = vector.shape_cast %get3A_477 : vector<16xf32> to vector<16xf32>
        %get3A_479 = arith.constant 3 : i32
        %get3A_480 = arith.index_cast %get3A_479 : i32 to index
        %get3A_481 = arith.constant 48 : index
        %get3A_482 = tpu.vector_load %arg6[%get3A_480, %get3A_481] {strides = array<i32>} : memref<4x128xf32, #tpu.memory_space<vmem>>, vector<1x16xf32>,
        %get3A_483 = vector.shape_cast %get3A_482 : vector<1x16xf32> to vector<16xf32>
        %add3A_484 = arith.addf %get3A_478, %get3A_483 : vector<16xf32>
        %swap3A_485 = arith.constant 432 : index
        %swap3A_486 = tpu.vector_load %arg7[%swap3A_485] {strides = array<i32>} : memref<512xf32, #tpu.memory_space<vmem>>, vector<16xf32>,
        %swap3A_487 = vector.shape_cast %swap3A_486 : vector<16xf32> to vector<16xf32>
        %swap3A_488 = vector.shape_cast %add3A_484 : vector<16xf32> to vector<16xf32>
        tpu.vector_store %arg7[%swap3A_485], %swap3A_488 {strides = array<i32>} : memref<512xf32, #tpu.memory_space<vmem>>, vector<16xf32>,
        %get3A_489 = arith.constant 448 : index
        %get3A_490 = tpu.vector_load %arg7[%get3A_489] {strides = array<i32>} : memref<512xf32, #tpu.memory_space<vmem>>, vector<16xf32>,
        %get3A_491 = vector.shape_cast %get3A_490 : vector<16xf32> to vector<16xf32>
        %get3A_492 = arith.constant 3 : i32
        %get3A_493 = arith.index_cast %get3A_492 : i32 to index
        %get3A_494 = arith.constant 64 : index
        %get3A_495 = tpu.vector_load %arg6[%get3A_493, %get3A_494] {strides = array<i32>} : memref<4x128xf32, #tpu.memory_space<vmem>>, vector<1x16xf32>,
        %get3A_496 = vector.shape_cast %get3A_495 : vector<1x16xf32> to vector<16xf32>
        %add3A_497 = arith.addf %get3A_491, %get3A_496 : vector<16xf32>
        %swap3A_498 = arith.constant 448 : index
        %swap3A_499 = tpu.vector_load %arg7[%swap3A_498] {strides = array<i32>} : memref<512xf32, #tpu.memory_space<vmem>>, vector<16xf32>,
        %swap3A_500 = vector.shape_cast %swap3A_499 : vector<16xf32> to vector<16xf32>
        %swap3A_501 = vector.shape_cast %add3A_497 : vector<16xf32> to vector<16xf32>
        tpu.vector_store %arg7[%swap3A_498], %swap3A_501 {strides = array<i32>} : memref<512xf32, #tpu.memory_space<vmem>>, vector<16xf32>,
        %get3A_502 = arith.constant 464 : index
        %get3A_503 = tpu.vector_load %arg7[%get3A_502] {strides = array<i32>} : memref<512xf32, #tpu.memory_space<vmem>>, vector<16xf32>,
        %get3A_504 = vector.shape_cast %get3A_503 : vector<16xf32> to vector<16xf32>
        %get3A_505 = arith.constant 3 : i32
        %get3A_506 = arith.index_cast %get3A_505 : i32 to index
        %get3A_507 = arith.constant 80 : index
        %get3A_508 = tpu.vector_load %arg6[%get3A_506, %get3A_507] {strides = array<i32>} : memref<4x128xf32, #tpu.memory_space<vmem>>, vector<1x16xf32>,
        %get3A_509 = vector.shape_cast %get3A_508 : vector<1x16xf32> to vector<16xf32>
        %add3A_510 = arith.addf %get3A_504, %get3A_509 : vector<16xf32>
        %swap3A_511 = arith.constant 464 : index
        %swap3A_512 = tpu.vector_load %arg7[%swap3A_511] {strides = array<i32>} : memref<512xf32, #tpu.memory_space<vmem>>, vector<16xf32>,
        %swap3A_513 = vector.shape_cast %swap3A_512 : vector<16xf32> to vector<16xf32>
        %swap3A_514 = vector.shape_cast %add3A_510 : vector<16xf32> to vector<16xf32>
        tpu.vector_store %arg7[%swap3A_511], %swap3A_514 {strides = array<i32>} : memref<512xf32, #tpu.memory_space<vmem>>, vector<16xf32>,
        %get3A_515 = arith.constant 480 : index
        %get3A_516 = tpu.vector_load %arg7[%get3A_515] {strides = array<i32>} : memref<512xf32, #tpu.memory_space<vmem>>, vector<16xf32>,
        %get3A_517 = vector.shape_cast %get3A_516 : vector<16xf32> to vector<16xf32>
        %get3A_518 = arith.constant 3 : i32
        %get3A_519 = arith.index_cast %get3A_518 : i32 to index
        %get3A_520 = arith.constant 96 : index
        %get3A_521 = tpu.vector_load %arg6[%get3A_519, %get3A_520] {strides = array<i32>} : memref<4x128xf32, #tpu.memory_space<vmem>>, vector<1x16xf32>,
        %get3A_522 = vector.shape_cast %get3A_521 : vector<1x16xf32> to vector<16xf32>
        %add3A_523 = arith.addf %get3A_517, %get3A_522 : vector<16xf32>
        %swap3A_524 = arith.constant 480 : index
        %swap3A_525 = tpu.vector_load %arg7[%swap3A_524] {strides = array<i32>} : memref<512xf32, #tpu.memory_space<vmem>>, vector<16xf32>,
        %swap3A_526 = vector.shape_cast %swap3A_525 : vector<16xf32> to vector<16xf32>
        %swap3A_527 = vector.shape_cast %add3A_523 : vector<16xf32> to vector<16xf32>
        tpu.vector_store %arg7[%swap3A_524], %swap3A_527 {strides = array<i32>} : memref<512xf32, #tpu.memory_space<vmem>>, vector<16xf32>,
        %get3A_528 = arith.constant 496 : index
        %get3A_529 = tpu.vector_load %arg7[%get3A_528] {strides = array<i32>} : memref<512xf32, #tpu.memory_space<vmem>>, vector<16xf32>,
        %get3A_530 = vector.shape_cast %get3A_529 : vector<16xf32> to vector<16xf32>
        %get3A_531 = arith.constant 3 : i32
        %get3A_532 = arith.index_cast %get3A_531 : i32 to index
        %get3A_533 = arith.constant 112 : index
        %get3A_534 = tpu.vector_load %arg6[%get3A_532, %get3A_533] {strides = array<i32>} : memref<4x128xf32, #tpu.memory_space<vmem>>, vector<1x16xf32>,
        %get3A_535 = vector.shape_cast %get3A_534 : vector<1x16xf32> to vector<16xf32>
        %add3A_536 = arith.addf %get3A_530, %get3A_535 : vector<16xf32>
        %swap3A_537 = arith.constant 496 : index
        %swap3A_538 = tpu.vector_load %arg7[%swap3A_537] {strides = array<i32>} : memref<512xf32, #tpu.memory_space<vmem>>, vector<16xf32>,
        %swap3A_539 = vector.shape_cast %swap3A_538 : vector<16xf32> to vector<16xf32>
        %swap3A_540 = vector.shape_cast %add3A_536 : vector<16xf32> to vector<16xf32>
        tpu.vector_store %arg7[%swap3A_537], %swap3A_540 {strides = array<i32>} : memref<512xf32, #tpu.memory_space<vmem>>, vector<16xf32>,
      } else {
      }
      %scan3A_126 = arith.constant 0 : i32
      scf.yield %scan3A_126 : i32
    }
    %scan3A_6 = arith.constant 26 : i32
    %scan3A_7 = arith.constant 0 : i32
    %scan3A_8 = arith.constant 0 : i32
    %scan3A_9 = arith.constant 32 : i32
    %scan3A_10 = arith.addi %scan3A_8, %scan3A_9 : i32
    %scan3A_11 = arith.constant 1 : i32
    %scan3A_12 = scf.for %scan3A_16 = %scan3A_8 to %scan3A_10 step %scan3A_11 iter_args(%scan3A_17 = %scan3A_7) -> (i32)  : i32 {
      %mul3A_18 = arith.constant 16 : i32
      %mul3A_19 = arith.muli %scan3A_16, %mul3A_18 : i32
      %get3A = arith.index_cast %mul3A_19 : i32 to index
      %get3A_20 = tpu.vector_load %arg7[%get3A] {strides = array<i32>} : memref<512xf32, #tpu.memory_space<vmem>>, vector<16xf32>,
      %get3A_21 = vector.shape_cast %get3A_20 : vector<16xf32> to vector<16xf32>
      %neg3A = arith.constant 0.000000e+00 : f32
      %neg3A_22 = vector.broadcast %neg3A : f32 to vector<16xf32>
      %neg3A_23 = arith.subf %neg3A_22, %get3A_21 : vector<16xf32>
      %exp3A = math.exp %neg3A_23 : vector<16xf32>
      %add3A_24 = arith.constant 1.000000e+00 : f32
      %add3A_25 = vector.broadcast %add3A_24 : f32 to vector<16xf32>
      %add3A_26 = arith.addf %add3A_25, %exp3A : vector<16xf32>
      %div3A = arith.constant 1.000000e+00 : f32
      %div3A_27 = vector.broadcast %div3A : f32 to vector<16xf32>
      %div3A_28 = arith.divf %div3A_27, %add3A_26 : vector<16xf32>
      %swap3A = arith.index_cast %mul3A_19 : i32 to index
      %swap3A_29 = tpu.vector_load %arg7[%swap3A] {strides = array<i32>} : memref<512xf32, #tpu.memory_space<vmem>>, vector<16xf32>,
      %swap3A_30 = vector.shape_cast %swap3A_29 : vector<16xf32> to vector<16xf32>
      %swap3A_31 = vector.shape_cast %div3A_28 : vector<16xf32> to vector<16xf32>
      tpu.vector_store %arg7[%swap3A], %swap3A_31 {strides = array<i32>} : memref<512xf32, #tpu.memory_space<vmem>>, vector<16xf32>,
      %scan3A_32 = arith.constant 0 : i32
      scf.yield %scan3A_32 : i32
    }
    %scan3A_13 = arith.constant 32 : i32
    %mul3A_14 = arith.constant 512 : i32
    %mul3A_15 = arith.muli %add3A, %mul3A_14 : i32
    "tpu.region"() ({
      %run_scoped3A = tpu.sem_alloc : memref<!tpu.dma_semaphore, #tpu.memory_space<semaphore_mem>>
      %dma_start3A = tpu.memref_slice %arg4[%mul3A_15] : memref<16384xf32, #tpu.memory_space<hbm>> -> memref<512xf32, #tpu.memory_space<hbm>>
      %dma_start3A_16 = tpu.memref_slice %arg4[%mul3A_15] : memref<16384xf32, #tpu.memory_space<hbm>> -> memref<512xf32, #tpu.memory_space<hbm>>
      tpu.enqueue_dma source(%arg7 : memref<512xf32, #tpu.memory_space<vmem>>) target(%dma_start3A_16 : memref<512xf32, #tpu.memory_space<hbm>>) target_semaphore(%run_scoped3A : memref<!tpu.dma_semaphore, #tpu.memory_space<semaphore_mem>>)
      %dma_wait3A = tpu.memref_slice %arg4[%mul3A_15] : memref<16384xf32, #tpu.memory_space<hbm>> -> memref<512xf32, #tpu.memory_space<hbm>>
      %dma_wait3A_17 = tpu.memref_slice %arg4[%mul3A_15] : memref<16384xf32, #tpu.memory_space<hbm>> -> memref<512xf32, #tpu.memory_space<hbm>>
      tpu.wait_dma2 semaphore(%run_scoped3A : memref<!tpu.dma_semaphore, #tpu.memory_space<semaphore_mem>>) src(%arg7 : memref<512xf32, #tpu.memory_space<vmem>>) dst(%dma_wait3A_17 : memref<512xf32, #tpu.memory_space<hbm>>)
      tpu.yield
    }) : () -> ()
    return
  }
}

</mosaic_0001>

<sc_bundles>
// kernel: kernel.3.cloned.1.call-start
scs
__scs_entry_jumppad:
0x0: {  	(pc) =	sbr.rel $0x88, $3  }
0x1: {  	(tag) =	ssettag $0x0;
	lr =	simm.s32 $0x1  }
0x2: {  	[smem:$0x3F9F] =	sst lr;
	_ =	strace $0xD0000000  }
0x3: {  	_ = 	snop  }
0x4: {  	_ = 	snop  }
0x5: {  	_ = 	snop  }
0x6: {  	_ = 	snop  }
0x7: {  	_ = 	snop  }
__scs_overlays_trampoline_lowered:
0x8: {  	[smem:$0x3FAE] =	sst s0  }
0x9: {  	[smem:$0x3FAF] =	sst s1  }
0xa: {  	[smem:$0x3FB0] =	sst s2  }
0xb: {  	[smem:$0x3FB1] =	sst s3  }
0xc: {  	[smem:$0x3FB2] =	sst s4  }
0xd: {  	[smem:$0x3FB3] =	sst s5  }
0xe: {  	[smem:$0x3FB4] =	sst s6  }
0xf: {  	[smem:$0x3FB5] =	sst s7  }
0x10: {  	[smem:$0x3FB6] =	sst s8  }
0x11: {  	[smem:$0x3FB7] =	sst s9;
	s0 =	simm.s32 @!p0 $0x0  }
0x12: {  	s1 =	sld [smem:$0x3F9D];
	s0 =	simm.s32 @p0 $0x1  }
0x13: {  	[smem:$0x3FB8] =	sst s0;
	s0 =	simm.s32 @!p1 $0x0  }
0x14: {  	s2 =	sld [smem:$0x3F9C];
	s0 =	simm.s32 @p1 $0x1  }
0x15: {  	[smem:$0x3FB9] =	sst s0;
	s0 =	simm.s32 @!p2 $0x0  }
0x16: {  	s3 =	sld [smem:$0x3FDB];
	s0 =	simm.s32 @p2 $0x1  }
0x17: {  	s4 =	simm.s32 $0x1BF5;
	[smem:$0x3FBB] =	sst s0  }
0x18: {  	s0 =	sld [smem:$0x3F9E];
	_ =	swait.ge [sflag:s4], $0x0  }
0x19: {  	s7 =	sld [smem:$0x3F9F]  }
0x1a: {  	s8 =	sadd.s32 $0xFFFFE003, lr  }
0x1b: {  	s9 =	sadd.s32 $0xFFFFFEF7, lr;
	s5 =	simm.s32 $0xFFFFFFFF;
	p2 =	slt.u32 s8, $0xFFFFF086  }
0x1c: {  	p1 =	slt.u32 s9, $0xF7A;
	s5 =	simm.s32 @!p2 $0x0  }
0x1d: {  	s5 =	simm.s32 @p1 $0x1;
	p0 =	seq.s32 s7, s2  }
0x1e: {  	s7 =	smul.u32 @!p0 $0xF7A, s2;
	p2 =	seq.s32 @!p0 s5, $0x0  }
0x1f: {  	s9 =	smul.u32 $0xF7A, s1;
	s8 =	simm.s32 @!p0 $0x1BF5;
	p2 =	por !p2, p0  }
0x20: {  	[sflag:s8] =	ssyncset.s32 @!p0 $0xFFFFF086;
	s6 =	sadd.s32 @!p0 s3, s7;
	s7 =	simm.s32 @!p0 $0x108  }
0x21: {  	s3 =	sadd.s32 s3, s9;
	s6 =	sadd.s32 @!p0 $0x88, s6;
	s7 =	simm.s32 @p2 $0x1082  }
0x22: {  	[simem:s7], [sflag:s8] =	dma.local @!p0 [hbm:s6], $0xF7A  }
0x23: {  	s9 =	sor.u32 $0xD0000000, s2;
	s6 =	simm.s32 $0x108;
	_ =	swait.ge @!p0 [sflag:s8], $0x0  }
0x24: {  	s3 =	sadd.s32 $0x88, s3;
	s6 =	simm.s32 @!p1 $0x1082;
	[sflag:s4] =	ssyncset.s32 $0xFFFFF086  }
0x25: {  	[simem:s6], [sflag:s4] =	dma.local [hbm:s3], $0xF7A  }
0x26: {  	[smem:$0x3F9F] =	sst s1;
	(tag) =	ssettag s2;
	_ =	strace s9  }
0x27: {  	s1 =	sld [smem:$0x3FAF]  }
0x28: {  	s2 =	sld [smem:$0x3FB0]  }
0x29: {  	s4 =	sld [smem:$0x3FB2]  }
0x2a: {  	p0 =	seq.s32 s5, $0x0;
	s5 =	sld [smem:$0x3FB3]  }
0x2b: {  	s6 =	sld [smem:$0x3FB4]  }
0x2c: {  	s7 =	sld [smem:$0x3FB5]  }
0x2d: {  	s3 =	simm.s32 $0x108;
	s8 =	sld [smem:$0x3FB6]  }
0x2e: {  	s3 =	simm.s32 @!p0 $0x1082;
	s9 =	sld [smem:$0x3FB7]  }
0x2f: {  	lr =	sadd.s32 s0, s3;
	s0 =	sld [smem:$0x3FAE]  }
0x30: {  	s3 =	sld [smem:$0x3FB1]  }
0x31: {  	[smem:$0x3FBA] =	sst s10  }
0x32: {  	s10 =	sld [smem:$0x3FB8];
	_ =	sdelay $0x3  }
0x33: {  	p0 =	seq.s32 s10, $0x1;
	s10 =	sld [smem:$0x3FBA];
	_ =	sdelay $0x3  }
0x34: {  	[smem:$0x3FBA] =	sst s10  }
0x35: {  	s10 =	sld [smem:$0x3FB9];
	_ =	sdelay $0x3  }
0x36: {  	p1 =	seq.s32 s10, $0x1;
	s10 =	sld [smem:$0x3FBA];
	_ =	sdelay $0x3  }
0x37: {  	[smem:$0x3FBA] =	sst s10  }
0x38: {  	s10 =	sld [smem:$0x3FBB]  }
0x39: {  	_ = 	snop;
	(pc) =	sbr.ind lr, $3  }
0x3a: {  	_ = 	snop  }
0x3b: {  	_ = 	snop  }
0x3c: {  	p2 =	seq.s32 s10, $0x1;
	s10 =	sld [smem:$0x3FBA]  }
0x3d: {  	_ =	shalt  }
0x3e: {  	_ =	shalt  }
0x3f: {  	_ =	shalt  }
0x40: {  	_ =	shalt  }
0x41: {  	_ =	shalt  }
0x42: {  	_ =	shalt  }
0x43: {  	_ =	shalt  }
0x44: {  	_ =	shalt  }
0x45: {  	_ =	shalt  }
0x46: {  	_ =	shalt  }
0x47: {  	_ =	shalt  }
0x48: {  	_ =	shalt  }
0x49: {  	_ =	shalt  }
0x4a: {  	_ =	shalt  }
0x4b: {  	_ =	shalt  }
0x4c: {  	_ =	shalt  }
0x4d: {  	_ =	shalt  }
0x4e: {  	_ =	shalt  }
0x4f: {  	_ =	shalt  }
0x50: {  	_ =	shalt  }
0x51: {  	_ =	shalt  }
0x52: {  	_ =	shalt  }
0x53: {  	_ =	shalt  }
0x54: {  	_ =	shalt  }
0x55: {  	_ =	shalt  }
0x56: {  	_ =	shalt  }
0x57: {  	_ =	shalt  }
0x58: {  	_ =	shalt  }
0x59: {  	_ =	shalt  }
0x5a: {  	_ =	shalt  }
0x5b: {  	_ =	shalt  }
0x5c: {  	_ =	shalt  }
0x5d: {  	_ =	shalt  }
0x5e: {  	_ =	shalt  }
0x5f: {  	_ =	shalt  }
0x60: {  	_ =	shalt  }
0x61: {  	_ =	shalt  }
0x62: {  	_ =	shalt  }
0x63: {  	_ =	shalt  }
0x64: {  	_ =	shalt  }
0x65: {  	_ =	shalt  }
0x66: {  	_ =	shalt  }
0x67: {  	_ =	shalt  }
0x68: {  	_ =	shalt  }
0x69: {  	_ =	shalt  }
0x6a: {  	_ =	shalt  }
0x6b: {  	_ =	shalt  }
0x6c: {  	_ =	shalt  }
0x6d: {  	_ =	shalt  }
0x6e: {  	_ =	shalt  }
0x6f: {  	_ =	shalt  }
0x70: {  	_ =	shalt  }
0x71: {  	_ =	shalt  }
0x72: {  	_ =	shalt  }
0x73: {  	_ =	shalt  }
0x74: {  	_ =	shalt  }
0x75: {  	_ =	shalt  }
0x76: {  	_ =	shalt  }
0x77: {  	_ =	shalt  }
0x78: {  	_ =	shalt  }
0x79: {  	_ =	shalt  }
0x7a: {  	_ =	shalt  }
0x7b: {  	_ =	shalt  }
0x7c: {  	_ =	shalt  }
0x7d: {  	_ =	shalt  }
0x7e: {  	_ =	shalt  }
0x7f: {  	_ =	shalt  }
0x80: {  	_ =	shalt  }
0x81: {  	_ =	shalt  }
0x82: {  	_ =	shalt  }
0x83: {  	_ =	shalt  }
0x84: {  	_ =	shalt  }
0x85: {  	_ =	shalt  }
0x86: {  	_ =	shalt  }
0x87: {  	_ =	shalt  }
.Lfunc_end0:
.L_simem_size_0:
called_computation.1_lowered:
.L_overlay_start_0:
0x88: {  	s2 =	sld [smem:$0x3FD9]  }
0x89: {  	s3 =	sld [smem:$0x3FFE];
	_ =	sdelay $0x1  }
0x8a: {  	s1 =	srdreg.scid  }
0x8b: {  	s0 =	sand.u32 $0x1, s1  }
0x8c: {  	s17 =	sshll.u32 s0, $0xA;
	s2 =	sadd.s32 s3, s2  }
0x8d: {  	s2 =	sadd.s32 s2, s17  }
0x8e: {  	[smem:$0x3FC6] =	sst s2  }
0x8f: {  	_ = 	snop  }
0x90: {  	s2 =	sld [smem:$0x3FD0];
	(tm) =	ssettm $0x1  }
0x91: {  	s18 =	sld [smem:$0x3FFB];
	_ =	sdelay $0x3  }
0x92: {  	_ =	strace s18  }
0x93: {  	s3 =	sld [smem:$0x3FFC];
	_ =	sdelay $0x3  }
0x94: {  	_ =	strace s3  }
0x95: {  	s3 =	sld [smem:$0x3FFD];
	_ =	sdelay $0x3  }
0x96: {  	_ =	strace s3  }
0x97: {  	_ =	strace $0x8FFFFFFF  }
0x98: {  	s19 =	sld [smem:$0x3FDB];
	_ =	sdelay $0x1  }
0x99: {  	s4 =	simm.s32 $_scs_section_size  }
0x9a: {  	s5 =	simm.s32 $_size__tile_overlayer_lowered;
	s6 =	simm.s32 $_tile_overlayer_lowered  }
0x9b: {  	s22 =	simm.s32 $0x1BFF;
	s21 =	sshll.u32 s6, $0x1;
	s3 =	sadd.s32 s4, s19  }
0x9c: {  	s7 =	simm.s32 $0x0;
	s20 =	sshll.u32 s5, $0x1;
	s5 =	sadd.s32 s21, s3  }
0x9d: {  	[timem:s7], [sflag:s22] =	dma.local [hbm:s5], s20  }
0x9e: {  	_ =	swait.ge [sflag:s22], s20  }
0x9f: {  	s4 =	ssub.s32 $0x0, s20;
	[sflag:s22] =	ssyncset.done $0x0  }
0xa0: {  	[sflag:s22] =	ssyncadd.s32 s4;
	_ =	sdelay $0x1  }
0xa1: {  	s23 =	simm.s32 $0x1B8B  }
0xa2: {  	_ =	swait.ge [sflag:s23], $0x1  }
0xa3: {  	[sflag:s23] =	ssyncset.done $0x0  }
0xa4: {  	s25 =	simm.s32 $0x1B8E;
	s24 =	sld [smem:$0x3FFE];
	[sflag:s23] =	ssyncadd.s32 $0xFFFFFFFF  }
0xa5: {  	s26 =	simm.s32 $execute0_lowered;
	[smem:$0x3FD2] =	sst s25  }
0xa6: {  	s5 =	sshll.u32 s26, $0x1;
	_ =	strace $0x80000049;
	[dreg:$0x1] =	wrdreg $0xFFFFFFFF  }
0xa7: {  	s28 =	simm.s32 $_size_execute0_lowered;
	s3 =	sadd.s32 s3, s5;
	[dreg:$0x0] =	wrdreg $0x0  }
0xa8: {  	s5 =	sshll.u32 s28, $0x1;
	[dreg:$0x2] =	wrdreg s3  }
0xa9: {  	[dreg:$0x3] =	wrdreg s5  }
0xaa: {  	[dreg:$0x4] =	wrdreg $0xC0  }
0xab: {  	_ =	task [dreg:s7], $0x5FFFF  }
0xac: {  	[dreg:$0x1] =	wrdreg $0xFFFFFFFF  }
0xad: {  	[dreg:$0x0] =	wrdreg $0x60  }
0xae: {  	[dreg:$0x2] =	wrdreg s24  }
0xaf: {  	[dreg:$0x3] =	wrdreg s2  }
0xb0: {  	[dreg:$0x4] =	wrdreg $0x9  }
0xb1: {  	_ =	task.clear_ibuf [dreg:s7], $0x5FFFF;
	_ =	strace $0x90000049  }
0xb2: {  	s29 =	simm.s32 $0x9;
	_ =	strace $0x8000004B  }
0xb3: {  	_ =	swait.ge [sflag:s29], $0x1  }
0xb4: {  	[sflag:s29] =	ssyncadd.s32 $0xFFFFFFFF  }
0xb5: {  	_ =	strace $0x9000004B  }
0xb6: {  	_ =	sfence  }
0xb7: {  	s30 =	sld [smem:$0x0];
	_ =	sdelay $0x2  }
0xb8: {  	s31 =	sshll.u32 s1, $0xD;
	s1 =	sshrl.u32 s1, $0x2  }
0xb9: {  	s3 =	sand.u32 $0x4000, s31;
	s1 =	sadd.s32 s1, s30  }
0xba: {  	s0 =	sor.u32 s3, s0;
	s1 =	sshll.u32 s1, $0x11  }
0xbb: {  	s0 =	sor.u32 s1, s0  }
0xbc: {  	s0 =	sadd.s32 $0x8F2B, s0  }
0xbd: {  	[sflag:s0] =	ssyncadd.remote.s32 $0x1  }
0xbe: {  	_ =	sfence.sel $0xFFFF  }
0xbf: {  	[dreg:$0x0] =	wrdreg $0xFFFFFFFF;
	(pc) =	sbr.abs _section_cstart, $3  }
0xc0: {  	[dreg:$0x1] =	wrdreg $0xFFFFFFFF  }
0xc1: {  	_ =	task.clear_ibuf [dreg:s7], $0x2FFFF;
	_ =	strace $0x9FFFFFFF  }
0xc2: {  	(tm) =	ssettm $0x7FFFFFFF  }
0xc3: {  	_ =	shalt  }
tec
execute0_lowered:
.L_overlay_start_1:
0x0: {  	(tag) =	ssettag $0x1  }
0x1: {  	s1 =	srdreg.scid  }
0x2: {  	s0 =	stileid.u32;
	s3 =	rddreg [dreg:$0x0]  }
0x3: {  	s5 =	rddreg [dreg:$0x1];
	s2 =	simm.s32 $0x0;
	s9 =	simm.s32 $0x3400  }
0x4: {  	s10 =	simm.s32 $0x3480;
	s11 =	simm.s32 $0x3500;
	s12 =	simm.s32 $0x3580  }
0x5: {  	s13 =	simm.s32 $0x1;
	s14 =	simm.s32 $0x3600;
	s15 =	simm.s32 $0x0  }
0x6: {  	s4 =	sand.u32 $0x1, s1;
	s31 =	sshll.u32 s0, $0x1;
	s1 =	rddreg [dreg:$0x2]  }
0x7: {  	[smem:$0x7FF] =	sst s2;
	s6 =	sor.u32 s4, s31;
	s4 =	ssub.s32 $0x2, s4  }
0x8: {  	s7 =	smul.u32 $0x680, s6;
	s8 =	sshrl.u32 s4, $0x1;
	s6 =	sshll.u32 s6, $0x6  }
0x9: {  	_ =	strace $0x8000004A;
	s8 =	ssub.s32 s4, s8;
	s5 =	sadd.s32 s5, s6  }
0xa: {  	s7 =	sadd.s32 s7, s3;
	s3 =	sadd.s32 $0x3D1200, s3;
	s6 =	smax.u32 s8, $0x1  }
0xb: {  	s8 =	simm.s32 $0x80;
	s4 =	sadd.s32 $0x6EAA00, s7;
	s7 =	simm.s32 $0x2  }
.LBB2_1:
.Ltmp0:
0xc: {  	(pc) =	sbr.rel .LBB2_2-.Ltmp0, $4  }
0xd: {  	[tilespmem:s2], [sflag:$0x2] =	stream.linear.gather [hbm4b:s4+s2], $0x3400, $0x38;
	[tilespmem:$0x3800] =	vst v63  }
0xe: {  	_ =	swait.ge [sflag:s7], $0x3400  }
0xf: {  	[sflag:s7] =	ssyncset.done $0x0  }
0x10: {  	s16 =	smov.u32 s3;
	s17 =	simm.s32 $0x0;
	[sflag:s7] =	ssyncadd.s32 $0xFFFFCC00  }
.LBB2_4:
0x11: {  	v0 =	vld [tilespmem:$0x3600]  }
0x12: {  	v1 =	vld [tilespmem:$0x3400]  }
0x13: {  	v2 =	vld [tilespmem:$0x3610]  }
0x14: {  	v3 =	vld [tilespmem:$0x3410]  }
0x15: {  	v4 =	vld [tilespmem:$0x3620]  }
0x16: {  	v5 =	vld [tilespmem:$0x3420]  }
0x17: {  	v6 =	vld [tilespmem:$0x3630]  }
0x18: {  	v7 =	vld [tilespmem:$0x3430]  }
0x19: {  	v8 =	vld [tilespmem:$0x3640]  }
0x1a: {  	v9 =	vld [tilespmem:$0x3440]  }
0x1b: {  	v10 =	vld [tilespmem:$0x3650]  }
0x1c: {  	v11 =	vld [tilespmem:$0x3450]  }
0x1d: {  	v12 =	vld [tilespmem:$0x3660]  }
0x1e: {  	v13 =	vld [tilespmem:$0x3460]  }
0x1f: {  	v14 =	vld [tilespmem:$0x3670]  }
0x20: {  	v15 =	vld [tilespmem:$0x3470]  }
0x21: {  	v16 =	vld [tilespmem:$0x3680]  }
0x22: {  	v17 =	vld [tilespmem:$0x3480]  }
0x23: {  	v18 =	vld [tilespmem:$0x3690]  }
0x24: {  	v19 =	vld [tilespmem:$0x3490]  }
0x25: {  	v20 =	vld [tilespmem:$0x36A0]  }
0x26: {  	v21 =	vld [tilespmem:$0x34A0]  }
0x27: {  	v22 =	vld [tilespmem:$0x36B0]  }
0x28: {  	v23 =	vld [tilespmem:$0x34B0]  }
0x29: {  	v24 =	vld [tilespmem:$0x36C0]  }
0x2a: {  	v25 =	vld [tilespmem:$0x34C0]  }
0x2b: {  	v26 =	vld [tilespmem:$0x36D0]  }
0x2c: {  	v27 =	vld [tilespmem:$0x34D0]  }
0x2d: {  	v28 =	vld [tilespmem:$0x36E0]  }
0x2e: {  	v29 =	vld [tilespmem:$0x34E0]  }
0x2f: {  	v30 =	vld [tilespmem:$0x36F0]  }
0x30: {  	v31 =	vld [tilespmem:$0x34F0]  }
0x31: {  	v32 =	vld [tilespmem:$0x3700]  }
0x32: {  	v33 =	vld [tilespmem:$0x3500]  }
0x33: {  	v34 =	vld [tilespmem:$0x3710]  }
0x34: {  	v35 =	vld [tilespmem:$0x3510]  }
0x35: {  	v41 =	vld [tilespmem:$0x3730];
	v0 =	vadd.f32 v1, v0  }
0x36: {  	v42 =	vld [tilespmem:$0x3530];
	v2 =	vadd.f32 v3, v2  }
0x37: {  	v43 =	vld [tilespmem:$0x3740];
	[tilespmem:$0x3600] =	vst v0;
	v0 =	vadd.f32 v5, v4  }
0x38: {  	v44 =	vld [tilespmem:$0x3540];
	[tilespmem:$0x3610] =	vst v2;
	v2 =	vadd.f32 v7, v6  }
0x39: {  	v45 =	vld [tilespmem:$0x3750];
	[tilespmem:$0x3620] =	vst v0;
	v0 =	vadd.f32 v9, v8  }
0x3a: {  	v46 =	vld [tilespmem:$0x3550];
	[tilespmem:$0x3630] =	vst v2;
	v2 =	vadd.f32 v11, v10  }
0x3b: {  	v47 =	vld [tilespmem:$0x3760];
	[tilespmem:$0x3640] =	vst v0;
	v0 =	vadd.f32 v13, v12  }
0x3c: {  	v48 =	vld [tilespmem:$0x3560];
	[tilespmem:$0x3650] =	vst v2;
	v2 =	vadd.f32 v15, v14  }
0x3d: {  	v49 =	vld [tilespmem:$0x3770];
	[tilespmem:$0x3660] =	vst v0;
	v0 =	vadd.f32 v17, v16  }
0x3e: {  	v50 =	vld [tilespmem:$0x3570];
	[tilespmem:$0x3670] =	vst v2;
	v2 =	vadd.f32 v19, v18  }
0x3f: {  	v51 =	vld [tilespmem:$0x3780];
	[tilespmem:$0x3680] =	vst v0;
	v0 =	vadd.f32 v21, v20  }
0x40: {  	v52 =	vld [tilespmem:$0x3580];
	[tilespmem:$0x3690] =	vst v2;
	v2 =	vadd.f32 v23, v22  }
0x41: {  	v1 =	vld [tilespmem:$0x3720];
	[tilespmem:$0x36A0] =	vst v0;
	v0 =	vadd.f32 v25, v24  }
0x42: {  	v3 =	vld [tilespmem:$0x3520];
	[tilespmem:$0x36B0] =	vst v2;
	v2 =	vadd.f32 v27, v26  }
0x43: {  	v53 =	vld [tilespmem:$0x3790];
	[tilespmem:$0x36C0] =	vst v0;
	v0 =	vadd.f32 v29, v28  }
0x44: {  	v54 =	vld [tilespmem:$0x3590];
	[tilespmem:$0x36D0] =	vst v2;
	v2 =	vadd.f32 v31, v30  }
0x45: {  	v55 =	vld [tilespmem:$0x37A0];
	[tilespmem:$0x36E0] =	vst v0;
	v0 =	vadd.f32 v33, v32  }
0x46: {  	v56 =	vld [tilespmem:$0x35A0];
	[tilespmem:$0x36F0] =	vst v2;
	v2 =	vadd.f32 v35, v34  }
0x47: {  	v57 =	vld [tilespmem:$0x37C0];
	[tilespmem:$0x3700] =	vst v0;
	v0 =	vadd.f32 v3, v1  }
0x48: {  	v58 =	vld [tilespmem:$0x35C0];
	[tilespmem:$0x3710] =	vst v2;
	v2 =	vadd.f32 v42, v41  }
0x49: {  	v59 =	vld [tilespmem:$0x37D0];
	[tilespmem:$0x3720] =	vst v0;
	v0 =	vadd.f32 v44, v43  }
0x4a: {  	v1 =	vld [tilespmem:$0x37B0];
	[tilespmem:$0x3730] =	vst v2;
	v2 =	vadd.f32 v46, v45  }
0x4b: {  	v3 =	vld [tilespmem:$0x35B0];
	[tilespmem:$0x3740] =	vst v0;
	v0 =	vadd.f32 v48, v47  }
0x4c: {  	v60 =	vld [tilespmem:$0x35D0];
	[tilespmem:$0x3750] =	vst v2;
	v2 =	vadd.f32 v50, v49  }
0x4d: {  	v61 =	vld [tilespmem:$0x37E0];
	[tilespmem:$0x3760] =	vst v0;
	v0 =	vadd.f32 v52, v51  }
0x4e: {  	v62 =	vld [tilespmem:$0x35E0];
	[tilespmem:$0x3770] =	vst v2;
	v2 =	vadd.f32 v54, v53  }
0x4f: {  	v63 =	vld [tilespmem:$0x37F0];
	[tilespmem:$0x3780] =	vst v0;
	v0 =	vadd.f32 v56, v55  }
0x50: {  	v1 =	vadd.f32 v3, v1;
	[tilespmem:$0x3790] =	vst v2;
	v2 =	vld [tilespmem:$0x35F0]  }
0x51: {  	[tilespmem:$0x37A0] =	vst v0;
	v0 =	vadd.f32 v58, v57  }
0x52: {  	[tilespmem:$0x37B0] =	vst v1;
	v1 =	vadd.f32 v60, v59  }
0x53: {  	[tilespmem:$0x37C0] =	vst v0;
	v0 =	vadd.f32 v62, v61  }
0x54: {  	[tilespmem:$0x37D0] =	vst v1  }
0x55: {  	[tilespmem:$0x37E0] =	vst v0;
	v0 =	vadd.f32 v2, v63  }
.LBB2_5:
0x56: {  	s17 =	sadd.s32 $0x800, s17  }
0x57: {  	p0 =	sne.s32 s17, $0xD000  }
.Ltmp1:
0x58: {  	_ = 	snop;
	(pc) =	sbr.rel @!p0 .LBB2_6-.Ltmp1, $2  }
0x59: {  	_ =	sdelay $0x2  }
0x5a: {  	s16 =	sadd.s32 $0x1E848, s16;
	[tilespmem:$0x37F0] =	vst v0  }
.LBB2_2:
0x5b: {  	s18 =	sshra.s32 s17, $0x2  }
0x5c: {  	[tilespmem:s9], [sflag:$0x1] =	stream.indirect.gather [hbm4b:s16+s8], $0x1, s18, s8, $0xb8;
	[tilespmem:$0x3800] =	vst v63  }
0x5d: {  	s19 =	sadd.s32 $0x80, s18  }
0x5e: {  	[tilespmem:s10], [sflag:$0x1] =	stream.indirect.gather [hbm4b:s16+s8], $0x1, s19, s8, $0xb8;
	[tilespmem:$0x3800] =	vst v63  }
0x5f: {  	s31 =	sadd.s32 $0x100, s18  }
0x60: {  	[tilespmem:s11], [sflag:$0x1] =	stream.indirect.gather [hbm4b:s16+s8], $0x1, s31, s8, $0xb8;
	[tilespmem:$0x3800] =	vst v63  }
0x61: {  	s18 =	sadd.s32 $0x180, s18  }
0x62: {  	[tilespmem:s12], [sflag:$0x1] =	stream.indirect.gather [hbm4b:s16+s8], $0x1, s18, s8, $0xb8;
	[tilespmem:$0x3800] =	vst v63  }
0x63: {  	_ =	swait.ge [sflag:s13], $0x80  }
0x64: {  	[sflag:s13] =	ssyncset.done $0x0  }
0x65: {  	[sflag:s13] =	ssyncadd.s32 $0xFFFFFF80  }
0x66: {  	_ =	swait.ge [sflag:s13], $0x80  }
0x67: {  	[sflag:s13] =	ssyncset.done $0x0  }
0x68: {  	[sflag:s13] =	ssyncadd.s32 $0xFFFFFF80  }
0x69: {  	p0 =	sne.s32 s17, $0x0;
	_ =	swait.ge [sflag:s13], $0x80  }
.Ltmp2:
0x6a: {  	[sflag:s13] =	ssyncset.done $0x0;
	(pc) =	sbr.rel @p0 .LBB2_4-.Ltmp2, $4  }
0x6b: {  	[sflag:s13] =	ssyncadd.s32 $0xFFFFFF80  }
0x6c: {  	_ =	swait.ge [sflag:s13], $0x80  }
0x6d: {  	[sflag:s13] =	ssyncset.done $0x0  }
0x6e: {  	[sflag:s13] =	ssyncadd.s32 $0xFFFFFF80  }
0x6f: {  	v0 =	vld [tilespmem:$0x3400]  }
0x70: {  	v1 =	vld [tilespmem:$0x3410]  }
0x71: {  	v2 =	vld [tilespmem:$0x3420]  }
0x72: {  	v3 =	vld [tilespmem:$0x3430]  }
0x73: {  	v4 =	vld [tilespmem:$0x3440]  }
0x74: {  	[tilespmem:$0x3600] =	vst v0;
	v0 =	vld [tilespmem:$0x3450]  }
0x75: {  	v59 =	vld [tilespmem:$0x3490];
	[tilespmem:$0x3610] =	vst v1  }
0x76: {  	v1 =	vld [tilespmem:$0x3460];
	[tilespmem:$0x3620] =	vst v2  }
0x77: {  	v2 =	vld [tilespmem:$0x3470];
	[tilespmem:$0x3630] =	vst v3  }
0x78: {  	v3 =	vld [tilespmem:$0x3480];
	[tilespmem:$0x3640] =	vst v4  }
0x79: {  	[tilespmem:$0x3650] =	vst v0;
	v0 =	vld [tilespmem:$0x34A0]  }
0x7a: {  	v60 =	vld [tilespmem:$0x34E0];
	[tilespmem:$0x3690] =	vst v59  }
0x7b: {  	[tilespmem:$0x3660] =	vst v1;
	v1 =	vld [tilespmem:$0x34B0]  }
0x7c: {  	[tilespmem:$0x3670] =	vst v2;
	v2 =	vld [tilespmem:$0x34C0]  }
0x7d: {  	[tilespmem:$0x3680] =	vst v3;
	v3 =	vld [tilespmem:$0x34D0]  }
0x7e: {  	[tilespmem:$0x36A0] =	vst v0;
	v0 =	vld [tilespmem:$0x34F0]  }
0x7f: {  	v61 =	vld [tilespmem:$0x3530];
	[tilespmem:$0x36E0] =	vst v60  }
0x80: {  	[tilespmem:$0x36B0] =	vst v1;
	v1 =	vld [tilespmem:$0x3500]  }
0x81: {  	[tilespmem:$0x36C0] =	vst v2;
	v2 =	vld [tilespmem:$0x3510]  }
0x82: {  	[tilespmem:$0x36D0] =	vst v3;
	v3 =	vld [tilespmem:$0x3520]  }
0x83: {  	[tilespmem:$0x36F0] =	vst v0;
	v0 =	vld [tilespmem:$0x3540]  }
0x84: {  	v62 =	vld [tilespmem:$0x3580];
	[tilespmem:$0x3730] =	vst v61  }
0x85: {  	[tilespmem:$0x3700] =	vst v1;
	v1 =	vld [tilespmem:$0x3550]  }
0x86: {  	[tilespmem:$0x3710] =	vst v2;
	v2 =	vld [tilespmem:$0x3560]  }
0x87: {  	[tilespmem:$0x3720] =	vst v3;
	v3 =	vld [tilespmem:$0x3570]  }
0x88: {  	[tilespmem:$0x3740] =	vst v0;
	v0 =	vld [tilespmem:$0x3590]  }
0x89: {  	v63 =	vld [tilespmem:$0x35D0];
	[tilespmem:$0x3780] =	vst v62  }
0x8a: {  	[tilespmem:$0x3750] =	vst v1;
	v1 =	vld [tilespmem:$0x35A0]  }
0x8b: {  	[tilespmem:$0x3760] =	vst v2;
	v2 =	vld [tilespmem:$0x35B0]  }
0x8c: {  	[tilespmem:$0x3770] =	vst v3;
	v3 =	vld [tilespmem:$0x35C0]  }
0x8d: {  	[tilespmem:$0x3790] =	vst v0;
	v0 =	vld [tilespmem:$0x35E0]  }
.Ltmp3:
0x8e: {  	[tilespmem:$0x37D0] =	vst v63;
	(pc) =	sbr.rel .LBB2_5-.Ltmp3, $4  }
0x8f: {  	[tilespmem:$0x37A0] =	vst v1  }
0x90: {  	[tilespmem:$0x37B0] =	vst v2  }
0x91: {  	[tilespmem:$0x37C0] =	vst v3  }
0x92: {  	[tilespmem:$0x37E0] =	vst v0;
	v0 =	vld [tilespmem:$0x35F0]  }
.LBB2_6:
0x93: {  	s16 =	simm.s32 $0x0;
	s17 =	simm.s32 $0x40  }
.LBB2_7:
0x94: {  	p0 =	sne.s32 s17, $0x7C0;
	v0 =	vld [tilespmem:s16+$0x3600];
	_ =	sdelay $0x4  }
0x95: {  	v0 =	vsub.f32 $0.0e+00, v0;
	_ =	sdelay $0x1  }
0x96: {  	v0 =	vmul.f32 $1.442695020e+00, v0;
	_ =	sdelay $0x1  }
0x97: {  	(erf) = vpow2.f32 v0;
	_ =	sdelay $0x8  }
0x98: {  	v0 =	vpop (erf)  }
0x99: {  	v0 =	vadd.f32 $1.000000000e+00, v0;
	_ =	sdelay $0x1  }
0x9a: {  	(erf) = vrcp.f32 v0;
	_ =	sdelay $0x5  }
.Ltmp4:
0x9b: {  	(pc) =	sbr.rel @p0 .LBB2_7-.Ltmp4, $3  }
0x9c: {  	_ =	sdelay $0x1  }
0x9d: {  	v0 =	vpop (erf)  }
0x9e: {  	[tilespmem:s16+$0x3600] =	vst v0;
	s16 =	sshra.s32 s17, $0x2;
	s17 =	sadd.s32 $0x40, s17  }
0x9f: {  	v0 =	vld [tilespmem:s16+$0x3600];
	_ =	sdelay $0x4  }
0xa0: {  	v0 =	vsub.f32 $0.0e+00, v0;
	_ =	sdelay $0x1  }
0xa1: {  	v0 =	vmul.f32 $1.442695020e+00, v0;
	_ =	sdelay $0x1  }
0xa2: {  	(erf) = vpow2.f32 v0;
	_ =	sdelay $0x8  }
0xa3: {  	v0 =	vpop (erf)  }
0xa4: {  	v0 =	vadd.f32 $1.000000000e+00, v0;
	_ =	sdelay $0x1  }
0xa5: {  	(erf) = vrcp.f32 v0;
	_ =	sdelay $0x7  }
0xa6: {  	s15 =	sadd.s32 $0x1, s15  }
0xa7: {  	p0 =	sne.s32 s15, s6;
	v0 =	vpop (erf)  }
.Ltmp5:
0xa8: {  	[tilespmem:s16+$0x3600] =	vst v0;
	(pc) =	sbr.rel @p0 .LBB2_1-.Ltmp5, $4  }
0xa9: {  	[hbm4b:s5+s2] =	stream.linear.scatter [tilespmem:s14], [sflag:$0x2], $0x200, $0x38;
	[tilespmem:$0x3800] =	vst v63  }
0xaa: {  	_ =	swait.ge [sflag:s7], $0x200  }
0xab: {  	[sflag:s7] =	ssyncset.done $0x0  }
0xac: {  	[sflag:s7] =	ssyncadd.s32 $0xFFFFFE00  }
0xad: {  	_ =	sfence.sel $0x180000  }
0xae: {  	[bflag:$0x0] =	sbarrier.arrive $0xFFFF  }
0xaf: {  	p0 =	sne.s32 s0, $0x0;
	_ =	strace $0x9000004A  }
0xb0: {  	s0 =	sadd.s32 @!p0 $0x100000, s1;
	[bflag:$0x2] =	sbarrier.arrive $0xFFFF  }
0xb1: {  	[sflag:s0] =	ssyncadd.tile.s32 @!p0 $0x1;
	_ =	shalt  }
.Lfunc_end2:
_tile_overlayer_lowered:
.L_overlay_start_2:
0xb2: {  	(tag) =	ssettag $0x2  }
0xb3: {  	s0 =	rddreg [dreg:$0x0];
	s2 =	stileid.u32  }
0xb4: {  	s1 =	rddreg [dreg:$0x1];
	p0 =	sne.s32 s2, $0x0  }
0xb5: {  	s3 =	rddreg [dreg:$0x2];
	[bflag:$0x3] =	sbarrier.arrive $0xFFFF;
	s2 =	simm.s32 @!p0 $0x1C02  }
0xb6: {  	[timem:s3], [sflag:s2] =	dma.local @!p0 [hbm:s0], s1  }
0xb7: {  	s0 =	simm.s32 @!p0 $0x2  }
0xb8: {  	_ =	swait.ge @!p0 [sflag:s0], s1  }
0xb9: {  	s1 =	ssub.s32 @!p0 $0x0, s1;
	[sflag:s0] =	ssyncset.done @!p0 $0x0  }
0xba: {  	[sflag:s0] =	ssyncadd.s32 @!p0 s1  }
0xbb: {  	[bflag:$0x3] =	sbarrier.arrive $0xFFFF  }
0xbc: {  	_ =	shalt  }

// kernel: sparse-core-data-format-call.cloned.1.call-start
scs
called_computation_lowered:
.L_overlay_start_0:
0x0: {  	s2 =	sld [smem:$0x3FD9]  }
0x1: {  	s3 =	sld [smem:$0x3FFE];
	_ =	sdelay $0x1  }
0x2: {  	s1 =	srdreg.scid  }
0x3: {  	s0 =	sand.u32 $0x1, s1  }
0x4: {  	s18 =	sshll.u32 s0, $0xA;
	s2 =	sadd.s32 s3, s2  }
0x5: {  	s2 =	sadd.s32 s2, s18  }
0x6: {  	[smem:$0x3FC6] =	sst s2  }
0x7: {  	_ = 	snop  }
0x8: {  	s2 =	sld [smem:$0x3FC8];
	(tm) =	ssettm $0x1  }
0x9: {  	s19 =	sld [smem:$0x3FFB];
	_ =	sdelay $0x3  }
0xa: {  	_ =	strace s19  }
0xb: {  	s3 =	sld [smem:$0x3FFC];
	_ =	sdelay $0x3  }
0xc: {  	_ =	strace s3  }
0xd: {  	s3 =	sld [smem:$0x3FFD];
	_ =	sdelay $0x3  }
0xe: {  	_ =	strace s3  }
0xf: {  	_ =	strace $0x8FFFFFFF  }
0x10: {  	s20 =	sld [smem:$0x3FDB];
	_ =	sdelay $0x1  }
0x11: {  	s4 =	simm.s32 $_scs_section_size  }
0x12: {  	s5 =	simm.s32 $_size__tile_overlayer_lowered;
	s6 =	simm.s32 $_tile_overlayer_lowered  }
0x13: {  	s23 =	simm.s32 $0x1BFF;
	s22 =	sshll.u32 s6, $0x1;
	s3 =	sadd.s32 s4, s20  }
0x14: {  	s7 =	simm.s32 $0x0;
	s21 =	sshll.u32 s5, $0x1;
	s5 =	sadd.s32 s22, s3  }
0x15: {  	[timem:s7], [sflag:s23] =	dma.local [hbm:s5], s21  }
0x16: {  	_ =	swait.ge [sflag:s23], s21  }
0x17: {  	s4 =	ssub.s32 $0x0, s21;
	[sflag:s23] =	ssyncset.done $0x0  }
0x18: {  	[sflag:s23] =	ssyncadd.s32 s4;
	_ =	sdelay $0x1  }
0x19: {  	s24 =	simm.s32 $0x1B8B  }
0x1a: {  	_ =	swait.ge [sflag:s24], $0x1  }
0x1b: {  	[sflag:s24] =	ssyncset.done $0x0  }
0x1c: {  	s26 =	simm.s32 $0x1B8E;
	s25 =	sld [smem:$0x3FFE];
	[sflag:s24] =	ssyncadd.s32 $0xFFFFFFFF  }
0x1d: {  	s27 =	simm.s32 $execute0_lowered;
	[smem:$0x3FD2] =	sst s26  }
0x1e: {  	s5 =	sshll.u32 s27, $0x1;
	_ =	strace $0x80000046;
	[dreg:$0x1] =	wrdreg $0xFFFFFFFF  }
0x1f: {  	s28 =	simm.s32 $_size_execute0_lowered;
	s3 =	sadd.s32 s3, s5;
	[dreg:$0x0] =	wrdreg $0x0  }
0x20: {  	s5 =	sshll.u32 s28, $0x1;
	[dreg:$0x2] =	wrdreg s3  }
0x21: {  	[dreg:$0x3] =	wrdreg s5  }
0x22: {  	[dreg:$0x4] =	wrdreg $0xC0  }
0x23: {  	_ =	task [dreg:s7], $0x5FFFF  }
0x24: {  	[dreg:$0x1] =	wrdreg $0xFFFFFFFF  }
0x25: {  	[dreg:$0x0] =	wrdreg $0x60  }
0x26: {  	[dreg:$0x2] =	wrdreg s2  }
0x27: {  	[dreg:$0x3] =	wrdreg s25  }
0x28: {  	[dreg:$0x4] =	wrdreg $0x9  }
0x29: {  	_ =	task.clear_ibuf [dreg:s7], $0x5FFFF;
	_ =	strace $0x90000046  }
0x2a: {  	s29 =	simm.s32 $0x9;
	_ =	strace $0x80000048  }
0x2b: {  	_ =	swait.ge [sflag:s29], $0x1  }
0x2c: {  	[sflag:s29] =	ssyncadd.s32 $0xFFFFFFFF  }
0x2d: {  	_ =	strace $0x90000048  }
0x2e: {  	_ =	sfence  }
0x2f: {  	s30 =	sld [smem:$0x0];
	_ =	sdelay $0x2  }
0x30: {  	s31 =	sshll.u32 s1, $0xD;
	s1 =	sshrl.u32 s1, $0x2  }
0x31: {  	s3 =	sand.u32 $0x4000, s31;
	s1 =	sadd.s32 s1, s30  }
0x32: {  	s0 =	sor.u32 s3, s0;
	s1 =	sshll.u32 s1, $0x11  }
0x33: {  	s0 =	sor.u32 s1, s0  }
0x34: {  	s0 =	sadd.s32 $0x8F2B, s0  }
0x35: {  	[sflag:s0] =	ssyncadd.remote.s32 $0x1  }
0x36: {  	_ =	sfence.sel $0xFFFF  }
0x37: {  	[dreg:$0x0] =	wrdreg $0xFFFFFFFF;
	(pc) =	sbr.abs _section_cstart, $3  }
0x38: {  	[dreg:$0x1] =	wrdreg $0xFFFFFFFF  }
0x39: {  	_ =	task.clear_ibuf [dreg:s7], $0x2FFFF;
	_ =	strace $0x9FFFFFFF  }
0x3a: {  	(tm) =	ssettm $0x7FFFFFFF  }
0x3b: {  	_ =	shalt  }
tec
execute0_lowered:
.L_overlay_start_1:
0x0: {  	(tag) =	ssettag $0x1  }
0x1: {  	s0 =	srdreg.scid;
	s2 =	rddreg [dreg:$0x0]  }
0x2: {  	s6 =	rddreg [dreg:$0x1];
	s4 =	simm.s32 $0x1;
	s7 =	simm.s32 $0x2  }
0x3: {  	s13 =	simm.s32 $0x0;
	s8 =	simm.s32 $0x7A1400;
	s1 =	sshll.u32 s0, $0x4  }
0x4: {  	s9 =	simm.s32 $0x0;
	s0 =	stileid.u32;
	s1 =	sand.u32 $0x10, s1  }
.Ltmp0:
0x5: {  	s14 =	simm.s32 $0x0;
	s3 =	sor.u32 s0, s1;
	(pc) =	sbr.rel .LBB1_1-.Ltmp0, $4  }
0x6: {  	s11 =	simm.s32 $0x0;
	s12 =	simm.s32 $0x0;
	s3 =	sshll.u32 s3, $0x7  }
0x7: {  	s1 =	rddreg [dreg:$0x2];
	_ =	strace $0x80000047;
	s5 =	ssub.s32 $0xF4200, s3  }
0x8: {  	s6 =	sadd.s32 $0x800, s6;
	[sflag:s4] =	ssyncpa.u1 $0x0;
	s5 =	sshrl.u32 s5, $0xC  }
0x9: {  	[sflag:s7] =	ssyncpa.u1 $0x0;
	s10 =	smov.u32 s3;
	s7 =	sadd.s32 $0x2, s5  }
.LBB1_5:
0xa: {  	s15 =	sadd.s32 $0x1000, s10  }
0xb: {  	s13 =	sadd.s32 $0x20, s11;
	s17 =	smov.u32 s11;
	p1 =	sgt.s32 s15, $0xF423F  }
0xc: {  	s17 =	smov.u32 @p1 s13  }
0xd: {  	s15 =	smov.u32 @p1 s3;
	p1 =	sgt.s32 s17, $0x19  }
0xe: {  	s17 =	simm.s32 @p1 $0x0;
	p1 =	sne.s32 s12, s7  }
.Ltmp1:
0xf: {  	p0 =	slt.u32 s12, $0x2;
	(pc) =	sbr.rel @!p1 .LBB1_6-.Ltmp1, $4  }
0x10: {  	s16 =	simm.s32 @!p0 $0x2  }
0x11: {  	s14 =	smov.u32 s11;
	s9 =	sadd.s32 $0x1000, s9;
	_ =	swait.ge @!p0 [sflag:s16], $0x1000  }
0x12: {  	s13 =	smov.u32 s10;
	[sflag:s16] =	ssyncset.done @!p0 $0x0;
	s10 =	smov.u32 s15  }
0x13: {  	s12 =	sadd.s32 $0x1, s12;
	[sflag:s16] =	ssyncadd.s32 @!p0 $0xFFFFF000;
	s11 =	smov.u32 s17  }
.LBB1_1:
0x14: {  	p0 =	sgt.u32 s12, s5  }
0x15: {  	s15 =	smov.u32 s11;
	p1 =	sgt.s32 @!p0 s11, $0xFFFFFFFA  }
0x16: {  	s16 =	sshra.s32 @!p0 s11, $0x1F;
	s17 =	sshra.s32 @!p0 s10, $0x1F;
	p1 =	por !p1, p0  }
0x17: {  	s16 =	sand.u32 @!p0 s16, s11;
	s15 =	simm.s32 @p1 $0xFFFFFFFA;
	p1 =	sgt.s32 @!p0 s10, $0xF4200  }
0x18: {  	s15 =	ssub.s32 @!p0 s15, s16;
	p1 =	por !p1, p0;
	s16 =	smov.u32 s10  }
0x19: {  	s17 =	sand.u32 @!p0 s17, s10;
	s18 =	sadd.s32 @!p0 $0x6, s15;
	s16 =	simm.s32 @p1 $0xF4200  }
0x1a: {  	s19 =	smulhi.u32 @!p0 $0x218D6287, s10;
	p1 =	sgt.s32 @!p0 s18, $0x1F;
	s16 =	ssub.s32 @!p0 s16, s17  }
0x1b: {  	s15 =	ssub.s32 @!p0 $0x1A, s15;
	p1 =	por !p1, p0;
	s17 =	sadd.s32 @!p0 $0xFFF0BE00, s16  }
0x1c: {  	s15 =	simm.s32 @!p1 $0x0;
	p1 =	sgt.s32 @!p0 s17, $0x7F  }
0x1d: {  	s16 =	ssub.s32 @!p0 $0xF4280, s16;
	s17 =	sshrl.u32 @!p0 s19, $0x11;
	p1 =	por !p1, p0  }
0x1e: {  	s17 =	smul.u32 @!p0 $0xF4280, s17;
	s16 =	simm.s32 @!p1 $0x0  }
0x1f: {  	s18 =	sxor.u32 @!p0 $0xFFFFFFFF, s12;
	s15 =	smul.u32 @!p0 s15, s16  }
0x20: {  	s16 =	sshll.u32 @!p0 s18, $0xC;
	s17 =	ssub.s32 @!p0 s10, s17;
	s18 =	smul.u32 @!p0 $0x1E850, s11  }
0x21: {  	s16 =	sand.u32 @!p0 $0x1000, s16;
	s19 =	sand.u32 @!p0 $0x7, s17;
	s17 =	sshrl.u32 @!p0 s17, $0x3  }
0x22: {  	s15 =	sand.u32 @!p0 $0x3FFFFFFF, s15;
	s18 =	sadd.s32 @!p0 s2, s18;
	s19 =	sshll.u32 @!p0 s19, $0x12  }
0x23: {  	s17 =	sadd.s32 @!p0 s17, s18;
	s18 =	sor.u32 @!p0 $0x80, s19;
	s19 =	simm.s32 @!p0 $0xF4280  }
0x24: {  	[tilespmem:s16], [sflag:$0x1] =	stream.strided.gather @!p0 [hbm4b:s17+s18], s15, s19, s18, $0x38;
	[tilespmem:$0x4000] =	vst v63  }
0x25: {  	p0 =	seq.s32 s12, $0x0  }
0x26: {  	p1 =	sge.u32 @!p0 s12, s7  }
0x27: {  	p0 =	por p0, p1  }
.Ltmp2:
0x28: {  	_ = 	snop;
	(pc) =	sbr.rel @p0 .LBB1_5-.Ltmp2, $1  }
0x29: {  	_ =	sdelay $0x3  }
0x2a: {  	p0 =	sgt.s32 s14, $0xFFFFFFFA  }
0x2b: {  	s15 =	smov.u32 s14;
	s16 =	sshra.s32 s14, $0x1F;
	s17 =	smov.u32 s13  }
0x2c: {  	s18 =	sshra.s32 s13, $0x1F;
	s15 =	simm.s32 @!p0 $0xFFFFFFFA;
	p0 =	sgt.s32 s13, $0xF4200  }
0x2d: {  	s16 =	sand.u32 s16, s14;
	s26 =	sand.u32 s18, s13;
	s17 =	simm.s32 @!p0 $0xF4200  }
0x2e: {  	s15 =	ssub.s32 s15, s16;
	s16 =	ssub.s32 s17, s26  }
0x2f: {  	s27 =	sadd.s32 $0x6, s15;
	s15 =	ssub.s32 $0x1A, s15;
	s17 =	sadd.s32 $0xFFF0BE00, s16  }
0x30: {  	p0 =	sgt.s32 s27, $0x1F;
	s16 =	ssub.s32 $0xF4280, s16;
	p1 =	sgt.s32 s17, $0x7F  }
0x31: {  	s28 =	sand.u32 $0x1000, s9;
	s15 =	simm.s32 @p0 $0x0;
	s16 =	simm.s32 @p1 $0x0  }
0x32: {  	s29 =	sor.u32 $0x70, s28;
	s15 =	smul.u32 s15, s16  }
0x33: {  	v1 =	vmov s29  }
0x34: {  	s15 =	sand.u32 $0x3FFFFFFF, s15  }
0x35: {  	_ =	swait.ge [sflag:s4], s15  }
0x36: {  	s15 =	ssub.s32 $0x0, s15;
	[sflag:s4] =	ssyncset.done $0x0  }
0x37: {  	s17 =	simm.s32 $0x0;
	[sflag:s4] =	ssyncadd.s32 s15  }
0x38: {  	s30 =	sor.u32 $0x2040, s28;
	v6 =	vld.idx.msk [tilespmem:v1+s17+$0x0 ss:$0x1], $0xffff  }
0x39: {  	v0 =	vmov s30;
	v8 =	vld.idx.msk [tilespmem:v1+s17+$0xFFFFFF90 ss:$0x1], $0xffff  }
0x3a: {  	v7 =	vld.idx.msk [tilespmem:v1+s17+$0xFFFFFFA0 ss:$0x1], $0xffff  }
0x3b: {  	v5 =	vld.idx.msk [tilespmem:v1+s17+$0xFFFFFFB0 ss:$0x1], $0xffff  }
0x3c: {  	v4 =	vld.idx.msk [tilespmem:v1+s17+$0xFFFFFFC0 ss:$0x1], $0xffff  }
0x3d: {  	s31 =	sshll.u32 s12, $0xC;
	v2 =	vld.idx.msk [tilespmem:v1+s17+$0xFFFFFFD0 ss:$0x1], $0xffff  }
0x3e: {  	s15 =	sand.u32 $0x1000, s31;
	v3 =	vld.idx.msk [tilespmem:v1+s17+$0xFFFFFFE0 ss:$0x1], $0xffff;
	[tilespmem:v0+s17+$0x30 ss:$0x1] =	vst.idx.msk $0xffff, v6  }
0x3f: {  	s18 =	simm.s32 $0x400;
	s16 =	simm.s32 $0x80;
	s15 =	sor.u32 $0x2000, s15;
	[tilespmem:v0+s17+$0xFFFFFFC0 ss:$0x1] =	vst.idx.msk $0xffff, v8;
	v6 =	vld.idx.msk [tilespmem:v1+s17+$0xFFFFFFF0 ss:$0x1], $0xffff  }
.LBB1_3:
0x40: {  	p0 =	sne.s32 s18, $0x3E00;
	v8 =	vld.idx.msk [tilespmem:v1+s16+$0x0 ss:$0x1], $0xffff;
	[tilespmem:v0+s17+$0xFFFFFFD0 ss:$0x1] =	vst.idx.msk $0xffff, v7  }
0x41: {  	v9 =	vld.idx.msk [tilespmem:v1+s16+$0xFFFFFF90 ss:$0x1], $0xffff;
	[tilespmem:v0+s17+$0xFFFFFFE0 ss:$0x1] =	vst.idx.msk $0xffff, v5  }
0x42: {  	v7 =	vld.idx.msk [tilespmem:v1+s16+$0xFFFFFFA0 ss:$0x1], $0xffff;
	[tilespmem:v0+s17+$0xFFFFFFF0 ss:$0x1] =	vst.idx.msk $0xffff, v4  }
.Ltmp3:
0x43: {  	v5 =	vld.idx.msk [tilespmem:v1+s16+$0xFFFFFFB0 ss:$0x1], $0xffff;
	[tilespmem:v0+s17+$0x0 ss:$0x1] =	vst.idx.msk $0xffff, v2;
	(pc) =	sbr.rel @p0 .LBB1_3-.Ltmp3, $4  }
0x44: {  	v4 =	vld.idx.msk [tilespmem:v1+s16+$0xFFFFFFC0 ss:$0x1], $0xffff;
	[tilespmem:v0+s17+$0x10 ss:$0x1] =	vst.idx.msk $0xffff, v3  }
0x45: {  	v2 =	vld.idx.msk [tilespmem:v1+s16+$0xFFFFFFD0 ss:$0x1], $0xffff;
	[tilespmem:v0+s17+$0x20 ss:$0x1] =	vst.idx.msk $0xffff, v6;
	s17 =	smov.u32 s16  }
0x46: {  	v3 =	vld.idx.msk [tilespmem:v1+s17+$0xFFFFFFE0 ss:$0x1], $0xffff;
	[tilespmem:v0+s17+$0x30 ss:$0x1] =	vst.idx.msk $0xffff, v8  }
0x47: {  	s16 =	sshra.s32 s18, $0x2;
	s18 =	sadd.s32 $0x200, s18;
	[tilespmem:v0+s17+$0xFFFFFFC0 ss:$0x1] =	vst.idx.msk $0xffff, v9;
	v6 =	vld.idx.msk [tilespmem:v1+s17+$0xFFFFFFF0 ss:$0x1], $0xffff  }
0x48: {  	_ =	sdelay $0x2  }
0x49: {  	s18 =	sshrl.u32 s14, $0x3  }
0x4a: {  	[tilespmem:v0+s17+$0xFFFFFFD0 ss:$0x1] =	vst.idx.msk $0xffff, v7;
	s19 =	sshll.u32 s13, $0x3;
	s18 =	smul.u32 $0x7A1400, s18  }
0x4b: {  	v56 =	vld.idx.msk [tilespmem:v1+s16+$0x0 ss:$0x1], $0xffff;
	[tilespmem:v0+s17+$0xFFFFFFE0 ss:$0x1] =	vst.idx.msk $0xffff, v5;
	s29 =	sshll.u32 s14, $0x7;
	s19 =	sand.u32 $0xFFFFFC00, s19  }
0x4c: {  	v57 =	vld.idx.msk [tilespmem:v1+s16+$0xFFFFFF90 ss:$0x1], $0xffff;
	[tilespmem:v0+s17+$0xFFFFFFF0 ss:$0x1] =	vst.idx.msk $0xffff, v4;
	s14 =	sand.u32 $0x380, s29;
	s18 =	sadd.s32 s18, s19  }
0x4d: {  	v58 =	vld.idx.msk [tilespmem:v1+s16+$0xFFFFFFA0 ss:$0x1], $0xffff;
	s30 =	sand.u32 $0x7F, s13;
	[tilespmem:v0+s17+$0x0 ss:$0x1] =	vst.idx.msk $0xffff, v2;
	s14 =	sor.u32 s14, s18  }
0x4e: {  	v59 =	vld.idx.msk [tilespmem:v1+s16+$0xFFFFFFB0 ss:$0x1], $0xffff;
	[tilespmem:v0+s17+$0x10 ss:$0x1] =	vst.idx.msk $0xffff, v3;
	s13 =	sor.u32 s30, s14  }
0x4f: {  	v60 =	vld.idx.msk [tilespmem:v1+s16+$0xFFFFFFC0 ss:$0x1], $0xffff;
	[tilespmem:v0+s17+$0x20 ss:$0x1] =	vst.idx.msk $0xffff, v6;
	s31 =	smulhi.u32 $0x218D6287, s13  }
0x50: {  	v61 =	vld.idx.msk [tilespmem:v1+s16+$0xFFFFFFD0 ss:$0x1], $0xffff;
	[tilespmem:v0+s16+$0x30 ss:$0x1] =	vst.idx.msk $0xffff, v56  }
0x51: {  	v62 =	vld.idx.msk [tilespmem:v1+s16+$0xFFFFFFE0 ss:$0x1], $0xffff;
	[tilespmem:v0+s16+$0xFFFFFFC0 ss:$0x1] =	vst.idx.msk $0xffff, v57;
	s14 =	smulhi.u32 $0x218D6287, s14;
	s17 =	sshrl.u32 s31, $0x11  }
0x52: {  	v63 =	vld.idx.msk [tilespmem:v1+s16+$0xFFFFFFF0 ss:$0x1], $0xffff;
	[tilespmem:v0+s16+$0xFFFFFFD0 ss:$0x1] =	vst.idx.msk $0xffff, v58;
	s17 =	smul.u32 $0xF4280, s17  }
0x53: {  	[tilespmem:v0+s16+$0xFFFFFFE0 ss:$0x1] =	vst.idx.msk $0xffff, v59;
	s14 =	sshrl.u32 s14, $0x11  }
.Ltmp4:
0x54: {  	[tilespmem:v0+s16+$0xFFFFFFF0 ss:$0x1] =	vst.idx.msk $0xffff, v60;
	s14 =	sand.u32 $0x1F, s14;
	s13 =	ssub.s32 s13, s17;
	(pc) =	sbr.rel .LBB1_5-.Ltmp4, $4  }
0x55: {  	[tilespmem:v0+s16+$0x0 ss:$0x1] =	vst.idx.msk $0xffff, v61;
	s14 =	smul.u32 $0x1E850, s14;
	s17 =	sshrl.u32 s13, $0x3;
	s13 =	sand.u32 $0x7, s13  }
0x56: {  	[tilespmem:v0+s16+$0x10 ss:$0x1] =	vst.idx.msk $0xffff, v62;
	s17 =	sadd.s32 s6, s17;
	s13 =	sshll.u32 s13, $0x12  }
0x57: {  	[tilespmem:v0+s16+$0x20 ss:$0x1] =	vst.idx.msk $0xffff, v63;
	s14 =	sadd.s32 s14, s17;
	s13 =	sor.u32 $0x400, s13  }
0x58: {  	[hbm4b:s14+s13] =	stream.strided.scatter [tilespmem:s15], [sflag:$0x2], $0x1000, s8, s13, $0x38;
	[tilespmem:$0x4000] =	vst v63  }
.LBB1_6:
0x59: {  	_ =	sfence.sel $0x180000  }
0x5a: {  	s2 =	simm.s32 $0x1;
	[bflag:$0x0] =	sbarrier.arrive $0xFFFF  }
0x5b: {  	s31 =	simm.s32 $0x2;
	[sflag:s2] =	ssyncpa.u1 $0x1  }
0x5c: {  	[sflag:s31] =	ssyncpa.u1 $0x1  }
0x5d: {  	p0 =	sne.s32 s0, $0x0;
	_ =	strace $0x90000047  }
0x5e: {  	s0 =	sadd.s32 @!p0 $0x100000, s1;
	[bflag:$0x2] =	sbarrier.arrive $0xFFFF  }
0x5f: {  	[sflag:s0] =	ssyncadd.tile.s32 @!p0 $0x1;
	_ =	shalt  }
.Lfunc_end1:
_tile_overlayer_lowered:
.L_overlay_start_2:
0x60: {  	(tag) =	ssettag $0x2  }
0x61: {  	s0 =	rddreg [dreg:$0x0];
	s2 =	stileid.u32  }
0x62: {  	s1 =	rddreg [dreg:$0x1];
	p0 =	sne.s32 s2, $0x0  }
0x63: {  	s3 =	rddreg [dreg:$0x2];
	[bflag:$0x3] =	sbarrier.arrive $0xFFFF;
	s2 =	simm.s32 @!p0 $0x1C01  }
0x64: {  	[timem:s3], [sflag:s2] =	dma.local @!p0 [hbm:s0], s1  }
0x65: {  	s0 =	simm.s32 @!p0 $0x1  }
0x66: {  	_ =	swait.ge @!p0 [sflag:s0], s1  }
0x67: {  	s1 =	ssub.s32 @!p0 $0x0, s1;
	[sflag:s0] =	ssyncset.done @!p0 $0x0  }
0x68: {  	[sflag:s0] =	ssyncadd.s32 @!p0 s1  }
0x69: {  	[bflag:$0x3] =	sbarrier.arrive $0xFFFF  }
0x6a: {  	_ =	shalt  }

</sc_bundles>
